<compile_context>
chip_gen: v7x
topology: tpu7x:2x2x1
jax: 0.10.2.dev20260603
libtpu: 0.0.44.dev20260713+nightly
codegen_flags: <defaults>
</compile_context>

<pallas_src>
import jax
import jax.numpy as jnp
from jax import lax
from jax.experimental import pallas as pl
from jax.experimental.pallas import tpu as pltpu
from jax.experimental.pallas import tpu_sc as plsc

_NC = 2
_NS = 16
_NW = _NC * _NS
_CHUNK = 128
_NBUF = 7


def _gather_body(T, xT_hbm, tab_hbm, out_hbm, idx_v, *rest):
    bufs = rest[:_NBUF]
    gsems = rest[_NBUF:2 * _NBUF]
    wsems = rest[2 * _NBUF:3 * _NBUF]
    wid = lax.axis_index("s") * _NC + lax.axis_index("c")
    coff = pl.multiple_of(wid * _CHUNK, 8)
    pltpu.sync_copy(xT_hbm.at[:, pl.ds(coff, _CHUNK)], idx_v)

    def start_gather(t, b):
        pltpu.async_copy(tab_hbm.at[idx_v.at[t]], bufs[b], gsems[b])

    def wait_gather(b):
        pltpu.make_async_copy(tab_hbm.at[idx_v.at[0]], bufs[b],
                              gsems[b]).wait()

    def start_write(t, b):
        pltpu.async_copy(bufs[b], out_hbm.at[t, pl.ds(coff, _CHUNK)],
                         wsems[b])

    def wait_write(b):
        pltpu.make_async_copy(bufs[b], out_hbm.at[0, pl.ds(0, _CHUNK)],
                              wsems[b]).wait()

    for b in range(_NBUF):
        start_gather(b, b)

    def outer(r, carry):
        for b in range(_NBUF):
            t = r * _NBUF + b

            @pl.when(t < T)
            def _():
                wait_gather(b)
                start_write(t, b)

        for b in range(_NBUF):
            tn = (r + 1) * _NBUF + b

            @pl.when(tn < T)
            def _():
                wait_write(b)
                start_gather(tn, b)

        return carry

    lax.fori_loop(0, -(-T // _NBUF), outer, 0)

    for b in range(_NBUF):
        wait_write(b)


def kernel(x, weight):
    B, T = x.shape
    V, D = weight.shape
    assert B % (_NW * _CHUNK) == 0 and T >= _NBUF

    xT = x.T.astype(jnp.int32)
    mesh = plsc.VectorSubcoreMesh(core_axis_name="c", subcore_axis_name="s")

    body = lambda *refs: _gather_body(T, *refs)
    out = pl.kernel(
        body,
        out_type=jax.ShapeDtypeStruct((T, B, D), jnp.float32),
        mesh=mesh,
        scratch_types=(
            [pltpu.VMEM((T, _CHUNK), jnp.int32)]
            + [pltpu.VMEM((_CHUNK, D), jnp.float32) for _ in range(_NBUF)]
            + [pltpu.SemaphoreType.DMA for _ in range(2 * _NBUF)]
        ),
    )(xT, weight)
    return out.transpose(1, 0, 2)

# --- scband reference (transcript-rebuilt; emitter-appended) ---
"""Pipeline reference for scband-embedder-41764261986409 (READ-ONLY COPY).

The authoritative reference and input builder live on the scoring server;
editing this copy changes nothing except your own understanding.
"""

import jax, jax.numpy as jnp
import numpy as np

def setup_inputs(seed: int = 0) -> dict:
    key = jax.random.key(seed)
    k1, k2 = jax.random.split(key)
    x = jax.random.randint(k1, (4096, 50), 0, 100000, dtype=jnp.int64 if jax.config.jax_enable_x64 else jnp.int32)
    # Xavier uniform init for embedding table [100000, 128]
    fan_in, fan_out = 100000, 128
    limit = float(np.sqrt(6.0 / (fan_in + fan_out)))
    weight = jax.random.uniform(k2, (100000, 128), minval=-limit, maxval=limit, dtype=jnp.float32)
    return {"x": x, "weight": weight}

def reference(x, weight):
    # nn.Embedding lookup: out[b, t, :] = weight[x[b, t], :]
    return jnp.take(weight, x, axis=0)

if __name__ == "__main__":
    import jax
    _d = setup_inputs()
    print(jax.jit(kernel)(*tuple(_d.values())))

</pallas_src>

<mosaic_0001>
#map = affine_map<(d0, d1) -> (0, 0)>
#map1 = affine_map<(d0, d1) -> (0, 0, 0)>
module attributes {stable_mosaic.version = 14 : i64} {
  func.func @_lambda_(%arg0: i32, %arg1: i32, %arg2: memref<50x4096xi32, #tpu.memory_space<hbm>>, %arg3: memref<100000x128xf32, #tpu.memory_space<hbm>>, %arg4: memref<50x4096x128xf32, #tpu.memory_space<hbm>>, %arg5: memref<50x128xi32, #tpu.memory_space<vmem>>, %arg6: memref<128x128xf32, #tpu.memory_space<vmem>>, %arg7: memref<128x128xf32, #tpu.memory_space<vmem>>, %arg8: memref<128x128xf32, #tpu.memory_space<vmem>>, %arg9: memref<128x128xf32, #tpu.memory_space<vmem>>, %arg10: memref<128x128xf32, #tpu.memory_space<vmem>>, %arg11: memref<128x128xf32, #tpu.memory_space<vmem>>, %arg12: memref<128x128xf32, #tpu.memory_space<vmem>>, %arg13: memref<!tpu.dma_semaphore, #tpu.memory_space<semaphore_mem>>, %arg14: memref<!tpu.dma_semaphore, #tpu.memory_space<semaphore_mem>>, %arg15: memref<!tpu.dma_semaphore, #tpu.memory_space<semaphore_mem>>, %arg16: memref<!tpu.dma_semaphore, #tpu.memory_space<semaphore_mem>>, %arg17: memref<!tpu.dma_semaphore, #tpu.memory_space<semaphore_mem>>, %arg18: memref<!tpu.dma_semaphore, #tpu.memory_space<semaphore_mem>>, %arg19: memref<!tpu.dma_semaphore, #tpu.memory_space<semaphore_mem>>, %arg20: memref<!tpu.dma_semaphore, #tpu.memory_space<semaphore_mem>>, %arg21: memref<!tpu.dma_semaphore, #tpu.memory_space<semaphore_mem>>, %arg22: memref<!tpu.dma_semaphore, #tpu.memory_space<semaphore_mem>>, %arg23: memref<!tpu.dma_semaphore, #tpu.memory_space<semaphore_mem>>, %arg24: memref<!tpu.dma_semaphore, #tpu.memory_space<semaphore_mem>>, %arg25: memref<!tpu.dma_semaphore, #tpu.memory_space<semaphore_mem>>, %arg26: memref<!tpu.dma_semaphore, #tpu.memory_space<semaphore_mem>>) attributes {dimension_semantics = [#tpu.dimension_semantics<core_parallel>, #tpu.dimension_semantics<subcore_parallel>], iteration_bounds = array<i64: 2, 16>, scalar_prefetch = 0 : i64, scratch_operands = 22 : i64, tpu.core_type = #tpu.core_type<sc_vector_subcore>, window_params = [{transform_indices = #map}, {transform_indices = #map}, {transform_indices = #map1}]} {
    %mul3A = arith.constant 2 : i32
    %mul3A_0 = arith.muli %arg1, %mul3A : i32
    %add3A = arith.addi %mul3A_0, %arg0 : i32
    %mul3A_1 = arith.constant 128 : i32
    %mul3A_2 = arith.muli %add3A, %mul3A_1 : i32
    %multiple_of3A = tpu.assume_multiple %mul3A_2, 8 : i32
    "tpu.region"() ({
      %run_scoped3A = tpu.sem_alloc : memref<!tpu.dma_semaphore, #tpu.memory_space<semaphore_mem>>
      %dma_start3A_118 = arith.constant 0 : i32
      %dma_start3A_119 = tpu.memref_slice %arg2[%dma_start3A_118, %multiple_of3A] : memref<50x4096xi32, #tpu.memory_space<hbm>> -> memref<50x128xi32, #tpu.memory_space<hbm>>
      %dma_start3A_120 = arith.constant 0 : i32
      %dma_start3A_121 = tpu.memref_slice %arg2[%dma_start3A_120, %multiple_of3A] : memref<50x4096xi32, #tpu.memory_space<hbm>> -> memref<50x128xi32, #tpu.memory_space<hbm>>
      tpu.enqueue_dma source(%dma_start3A_121 : memref<50x128xi32, #tpu.memory_space<hbm>>) target(%arg5 : memref<50x128xi32, #tpu.memory_space<vmem>>) target_semaphore(%run_scoped3A : memref<!tpu.dma_semaphore, #tpu.memory_space<semaphore_mem>>)
      %dma_wait3A_122 = arith.constant 0 : i32
      %dma_wait3A_123 = tpu.memref_slice %arg2[%dma_wait3A_122, %multiple_of3A] : memref<50x4096xi32, #tpu.memory_space<hbm>> -> memref<50x128xi32, #tpu.memory_space<hbm>>
      %dma_wait3A_124 = arith.constant 0 : i32
      %dma_wait3A_125 = tpu.memref_slice %arg2[%dma_wait3A_124, %multiple_of3A] : memref<50x4096xi32, #tpu.memory_space<hbm>> -> memref<50x128xi32, #tpu.memory_space<hbm>>
      tpu.wait_dma2 semaphore(%run_scoped3A : memref<!tpu.dma_semaphore, #tpu.memory_space<semaphore_mem>>) src(%dma_wait3A_125 : memref<50x128xi32, #tpu.memory_space<hbm>>) dst(%arg5 : memref<50x128xi32, #tpu.memory_space<vmem>>)
      tpu.yield
    }) : () -> ()
    %dma_start3A = arith.constant 0 : i32
    %dma_start3A_3 = arith.constant 0 : i32
    %dma_start3A_4 = tpu.memref_slice %arg5[%dma_start3A, %dma_start3A_3] : memref<50x128xi32, #tpu.memory_space<vmem>> -> memref<1x128xi32, #tpu.memory_space<vmem>>
    %dma_start3A_5 = tpu.memref_squeeze %dma_start3A_4 : memref<1x128xi32, #tpu.memory_space<vmem>> -> memref<128xi32, #tpu.memory_space<vmem>>
    %dma_start3A_6 = arith.constant 0 : i32
    %dma_start3A_7 = arith.constant 0 : i32
    %dma_start3A_8 = tpu.memref_slice %arg3[%dma_start3A_6, %dma_start3A_7] : memref<100000x128xf32, #tpu.memory_space<hbm>> -> memref<100000x128xf32, #tpu.memory_space<hbm>>
    tpu.enqueue_indirect_dma source(%dma_start3A_8 : memref<100000x128xf32, #tpu.memory_space<hbm>>) target(%arg6 : memref<128x128xf32, #tpu.memory_space<vmem>>) offsets(%dma_start3A_5 : memref<128xi32, #tpu.memory_space<vmem>>) semaphore(%arg13 : memref<!tpu.dma_semaphore, #tpu.memory_space<semaphore_mem>>)
    %dma_start3A_9 = arith.constant 1 : i32
    %dma_start3A_10 = arith.constant 0 : i32
    %dma_start3A_11 = tpu.memref_slice %arg5[%dma_start3A_9, %dma_start3A_10] : memref<50x128xi32, #tpu.memory_space<vmem>> -> memref<1x128xi32, #tpu.memory_space<vmem>>
    %dma_start3A_12 = tpu.memref_squeeze %dma_start3A_11 : memref<1x128xi32, #tpu.memory_space<vmem>> -> memref<128xi32, #tpu.memory_space<vmem>>
    %dma_start3A_13 = arith.constant 0 : i32
    %dma_start3A_14 = arith.constant 0 : i32
    %dma_start3A_15 = tpu.memref_slice %arg3[%dma_start3A_13, %dma_start3A_14] : memref<100000x128xf32, #tpu.memory_space<hbm>> -> memref<100000x128xf32, #tpu.memory_space<hbm>>
    tpu.enqueue_indirect_dma source(%dma_start3A_15 : memref<100000x128xf32, #tpu.memory_space<hbm>>) target(%arg7 : memref<128x128xf32, #tpu.memory_space<vmem>>) offsets(%dma_start3A_12 : memref<128xi32, #tpu.memory_space<vmem>>) semaphore(%arg14 : memref<!tpu.dma_semaphore, #tpu.memory_space<semaphore_mem>>)
    %dma_start3A_16 = arith.constant 2 : i32
    %dma_start3A_17 = arith.constant 0 : i32
    %dma_start3A_18 = tpu.memref_slice %arg5[%dma_start3A_16, %dma_start3A_17] : memref<50x128xi32, #tpu.memory_space<vmem>> -> memref<1x128xi32, #tpu.memory_space<vmem>>
    %dma_start3A_19 = tpu.memref_squeeze %dma_start3A_18 : memref<1x128xi32, #tpu.memory_space<vmem>> -> memref<128xi32, #tpu.memory_space<vmem>>
    %dma_start3A_20 = arith.constant 0 : i32
    %dma_start3A_21 = arith.constant 0 : i32
    %dma_start3A_22 = tpu.memref_slice %arg3[%dma_start3A_20, %dma_start3A_21] : memref<100000x128xf32, #tpu.memory_space<hbm>> -> memref<100000x128xf32, #tpu.memory_space<hbm>>
    tpu.enqueue_indirect_dma source(%dma_start3A_22 : memref<100000x128xf32, #tpu.memory_space<hbm>>) target(%arg8 : memref<128x128xf32, #tpu.memory_space<vmem>>) offsets(%dma_start3A_19 : memref<128xi32, #tpu.memory_space<vmem>>) semaphore(%arg15 : memref<!tpu.dma_semaphore, #tpu.memory_space<semaphore_mem>>)
    %dma_start3A_23 = arith.constant 3 : i32
    %dma_start3A_24 = arith.constant 0 : i32
    %dma_start3A_25 = tpu.memref_slice %arg5[%dma_start3A_23, %dma_start3A_24] : memref<50x128xi32, #tpu.memory_space<vmem>> -> memref<1x128xi32, #tpu.memory_space<vmem>>
    %dma_start3A_26 = tpu.memref_squeeze %dma_start3A_25 : memref<1x128xi32, #tpu.memory_space<vmem>> -> memref<128xi32, #tpu.memory_space<vmem>>
    %dma_start3A_27 = arith.constant 0 : i32
    %dma_start3A_28 = arith.constant 0 : i32
    %dma_start3A_29 = tpu.memref_slice %arg3[%dma_start3A_27, %dma_start3A_28] : memref<100000x128xf32, #tpu.memory_space<hbm>> -> memref<100000x128xf32, #tpu.memory_space<hbm>>
    tpu.enqueue_indirect_dma source(%dma_start3A_29 : memref<100000x128xf32, #tpu.memory_space<hbm>>) target(%arg9 : memref<128x128xf32, #tpu.memory_space<vmem>>) offsets(%dma_start3A_26 : memref<128xi32, #tpu.memory_space<vmem>>) semaphore(%arg16 : memref<!tpu.dma_semaphore, #tpu.memory_space<semaphore_mem>>)
    %dma_start3A_30 = arith.constant 4 : i32
    %dma_start3A_31 = arith.constant 0 : i32
    %dma_start3A_32 = tpu.memref_slice %arg5[%dma_start3A_30, %dma_start3A_31] : memref<50x128xi32, #tpu.memory_space<vmem>> -> memref<1x128xi32, #tpu.memory_space<vmem>>
    %dma_start3A_33 = tpu.memref_squeeze %dma_start3A_32 : memref<1x128xi32, #tpu.memory_space<vmem>> -> memref<128xi32, #tpu.memory_space<vmem>>
    %dma_start3A_34 = arith.constant 0 : i32
    %dma_start3A_35 = arith.constant 0 : i32
    %dma_start3A_36 = tpu.memref_slice %arg3[%dma_start3A_34, %dma_start3A_35] : memref<100000x128xf32, #tpu.memory_space<hbm>> -> memref<100000x128xf32, #tpu.memory_space<hbm>>
    tpu.enqueue_indirect_dma source(%dma_start3A_36 : memref<100000x128xf32, #tpu.memory_space<hbm>>) target(%arg10 : memref<128x128xf32, #tpu.memory_space<vmem>>) offsets(%dma_start3A_33 : memref<128xi32, #tpu.memory_space<vmem>>) semaphore(%arg17 : memref<!tpu.dma_semaphore, #tpu.memory_space<semaphore_mem>>)
    %dma_start3A_37 = arith.constant 5 : i32
    %dma_start3A_38 = arith.constant 0 : i32
    %dma_start3A_39 = tpu.memref_slice %arg5[%dma_start3A_37, %dma_start3A_38] : memref<50x128xi32, #tpu.memory_space<vmem>> -> memref<1x128xi32, #tpu.memory_space<vmem>>
    %dma_start3A_40 = tpu.memref_squeeze %dma_start3A_39 : memref<1x128xi32, #tpu.memory_space<vmem>> -> memref<128xi32, #tpu.memory_space<vmem>>
    %dma_start3A_41 = arith.constant 0 : i32
    %dma_start3A_42 = arith.constant 0 : i32
    %dma_start3A_43 = tpu.memref_slice %arg3[%dma_start3A_41, %dma_start3A_42] : memref<100000x128xf32, #tpu.memory_space<hbm>> -> memref<100000x128xf32, #tpu.memory_space<hbm>>
    tpu.enqueue_indirect_dma source(%dma_start3A_43 : memref<100000x128xf32, #tpu.memory_space<hbm>>) target(%arg11 : memref<128x128xf32, #tpu.memory_space<vmem>>) offsets(%dma_start3A_40 : memref<128xi32, #tpu.memory_space<vmem>>) semaphore(%arg18 : memref<!tpu.dma_semaphore, #tpu.memory_space<semaphore_mem>>)
    %dma_start3A_44 = arith.constant 6 : i32
    %dma_start3A_45 = arith.constant 0 : i32
    %dma_start3A_46 = tpu.memref_slice %arg5[%dma_start3A_44, %dma_start3A_45] : memref<50x128xi32, #tpu.memory_space<vmem>> -> memref<1x128xi32, #tpu.memory_space<vmem>>
    %dma_start3A_47 = tpu.memref_squeeze %dma_start3A_46 : memref<1x128xi32, #tpu.memory_space<vmem>> -> memref<128xi32, #tpu.memory_space<vmem>>
    %dma_start3A_48 = arith.constant 0 : i32
    %dma_start3A_49 = arith.constant 0 : i32
    %dma_start3A_50 = tpu.memref_slice %arg3[%dma_start3A_48, %dma_start3A_49] : memref<100000x128xf32, #tpu.memory_space<hbm>> -> memref<100000x128xf32, #tpu.memory_space<hbm>>
    tpu.enqueue_indirect_dma source(%dma_start3A_50 : memref<100000x128xf32, #tpu.memory_space<hbm>>) target(%arg12 : memref<128x128xf32, #tpu.memory_space<vmem>>) offsets(%dma_start3A_47 : memref<128xi32, #tpu.memory_space<vmem>>) semaphore(%arg19 : memref<!tpu.dma_semaphore, #tpu.memory_space<semaphore_mem>>)
    %scan3A = arith.constant 0 : i32
    %scan3A_51 = arith.constant 0 : i32
    %scan3A_52 = arith.constant 8 : i32
    %scan3A_53 = arith.addi %scan3A_51, %scan3A_52 : i32
    %scan3A_54 = arith.constant 1 : i32
    scf.for %scan3A_118 = %scan3A_51 to %scan3A_53 step %scan3A_54  : i32 {
      %mul3A_119 = arith.constant 7 : i32
      %mul3A_120 = arith.muli %scan3A_118, %mul3A_119 : i32
      %add3A_121 = arith.constant 0 : i32
      %add3A_122 = arith.addi %mul3A_120, %add3A_121 : i32
      %lt3A = arith.constant 50 : i32
      %lt3A_123 = arith.cmpi slt, %add3A_122, %lt3A : i32
      %convert_element_type3A = arith.extui %lt3A_123 : i1 to i32
      %cond3A = arith.constant 0 : i32
      %cond3A_124 = arith.cmpi ne, %convert_element_type3A, %cond3A : i32
      scf.if %cond3A_124 {
        %dma_wait3A_256 = arith.constant 0 : i32
        %dma_wait3A_257 = arith.constant 0 : i32
        %dma_wait3A_258 = tpu.memref_slice %arg5[%dma_wait3A_256, %dma_wait3A_257] : memref<50x128xi32, #tpu.memory_space<vmem>> -> memref<1x128xi32, #tpu.memory_space<vmem>>
        %dma_wait3A_259 = tpu.memref_squeeze %dma_wait3A_258 : memref<1x128xi32, #tpu.memory_space<vmem>> -> memref<128xi32, #tpu.memory_space<vmem>>
        %dma_wait3A_260 = arith.constant 0 : i32
        %dma_wait3A_261 = arith.constant 0 : i32
        %dma_wait3A_262 = tpu.memref_slice %arg3[%dma_wait3A_260, %dma_wait3A_261] : memref<100000x128xf32, #tpu.memory_space<hbm>> -> memref<100000x128xf32, #tpu.memory_space<hbm>>
        tpu.wait_indirect_dma semaphore(%arg13 : memref<!tpu.dma_semaphore, #tpu.memory_space<semaphore_mem>>) src(%dma_wait3A_262 : memref<100000x128xf32, #tpu.memory_space<hbm>>) dst(%arg6 : memref<128x128xf32, #tpu.memory_space<vmem>>)
        %dma_start3A_263 = arith.constant 0 : i32
        %dma_start3A_264 = tpu.memref_slice %arg4[%add3A_122, %multiple_of3A, %dma_start3A_263] : memref<50x4096x128xf32, #tpu.memory_space<hbm>> -> memref<1x128x128xf32, #tpu.memory_space<hbm>>
        %dma_start3A_265 = tpu.memref_squeeze %dma_start3A_264 : memref<1x128x128xf32, #tpu.memory_space<hbm>> -> memref<128x128xf32, #tpu.memory_space<hbm>>
        %dma_start3A_266 = arith.constant 0 : i32
        %dma_start3A_267 = tpu.memref_slice %arg4[%add3A_122, %multiple_of3A, %dma_start3A_266] : memref<50x4096x128xf32, #tpu.memory_space<hbm>> -> memref<1x128x128xf32, #tpu.memory_space<hbm>>
        %dma_start3A_268 = tpu.memref_squeeze %dma_start3A_267 : memref<1x128x128xf32, #tpu.memory_space<hbm>> -> memref<128x128xf32, #tpu.memory_space<hbm>>
        tpu.enqueue_dma source(%arg6 : memref<128x128xf32, #tpu.memory_space<vmem>>) target(%dma_start3A_268 : memref<128x128xf32, #tpu.memory_space<hbm>>) target_semaphore(%arg20 : memref<!tpu.dma_semaphore, #tpu.memory_space<semaphore_mem>>)
      } else {
      }
      %mul3A_125 = arith.constant 7 : i32
      %mul3A_126 = arith.muli %scan3A_118, %mul3A_125 : i32
      %add3A_127 = arith.constant 1 : i32
      %add3A_128 = arith.addi %mul3A_126, %add3A_127 : i32
      %lt3A_129 = arith.constant 50 : i32
      %lt3A_130 = arith.cmpi slt, %add3A_128, %lt3A_129 : i32
      %convert_element_type3A_131 = arith.extui %lt3A_130 : i1 to i32
      %cond3A_132 = arith.constant 0 : i32
      %cond3A_133 = arith.cmpi ne, %convert_element_type3A_131, %cond3A_132 : i32
      scf.if %cond3A_133 {
        %dma_wait3A_256 = arith.constant 0 : i32
        %dma_wait3A_257 = arith.constant 0 : i32
        %dma_wait3A_258 = tpu.memref_slice %arg5[%dma_wait3A_256, %dma_wait3A_257] : memref<50x128xi32, #tpu.memory_space<vmem>> -> memref<1x128xi32, #tpu.memory_space<vmem>>
        %dma_wait3A_259 = tpu.memref_squeeze %dma_wait3A_258 : memref<1x128xi32, #tpu.memory_space<vmem>> -> memref<128xi32, #tpu.memory_space<vmem>>
        %dma_wait3A_260 = arith.constant 0 : i32
        %dma_wait3A_261 = arith.constant 0 : i32
        %dma_wait3A_262 = tpu.memref_slice %arg3[%dma_wait3A_260, %dma_wait3A_261] : memref<100000x128xf32, #tpu.memory_space<hbm>> -> memref<100000x128xf32, #tpu.memory_space<hbm>>
        tpu.wait_indirect_dma semaphore(%arg14 : memref<!tpu.dma_semaphore, #tpu.memory_space<semaphore_mem>>) src(%dma_wait3A_262 : memref<100000x128xf32, #tpu.memory_space<hbm>>) dst(%arg7 : memref<128x128xf32, #tpu.memory_space<vmem>>)
        %dma_start3A_263 = arith.constant 0 : i32
        %dma_start3A_264 = tpu.memref_slice %arg4[%add3A_128, %multiple_of3A, %dma_start3A_263] : memref<50x4096x128xf32, #tpu.memory_space<hbm>> -> memref<1x128x128xf32, #tpu.memory_space<hbm>>
        %dma_start3A_265 = tpu.memref_squeeze %dma_start3A_264 : memref<1x128x128xf32, #tpu.memory_space<hbm>> -> memref<128x128xf32, #tpu.memory_space<hbm>>
        %dma_start3A_266 = arith.constant 0 : i32
        %dma_start3A_267 = tpu.memref_slice %arg4[%add3A_128, %multiple_of3A, %dma_start3A_266] : memref<50x4096x128xf32, #tpu.memory_space<hbm>> -> memref<1x128x128xf32, #tpu.memory_space<hbm>>
        %dma_start3A_268 = tpu.memref_squeeze %dma_start3A_267 : memref<1x128x128xf32, #tpu.memory_space<hbm>> -> memref<128x128xf32, #tpu.memory_space<hbm>>
        tpu.enqueue_dma source(%arg7 : memref<128x128xf32, #tpu.memory_space<vmem>>) target(%dma_start3A_268 : memref<128x128xf32, #tpu.memory_space<hbm>>) target_semaphore(%arg21 : memref<!tpu.dma_semaphore, #tpu.memory_space<semaphore_mem>>)
      } else {
      }
      %mul3A_134 = arith.constant 7 : i32
      %mul3A_135 = arith.muli %scan3A_118, %mul3A_134 : i32
      %add3A_136 = arith.constant 2 : i32
      %add3A_137 = arith.addi %mul3A_135, %add3A_136 : i32
      %lt3A_138 = arith.constant 50 : i32
      %lt3A_139 = arith.cmpi slt, %add3A_137, %lt3A_138 : i32
      %convert_element_type3A_140 = arith.extui %lt3A_139 : i1 to i32
      %cond3A_141 = arith.constant 0 : i32
      %cond3A_142 = arith.cmpi ne, %convert_element_type3A_140, %cond3A_141 : i32
      scf.if %cond3A_142 {
        %dma_wait3A_256 = arith.constant 0 : i32
        %dma_wait3A_257 = arith.constant 0 : i32
        %dma_wait3A_258 = tpu.memref_slice %arg5[%dma_wait3A_256, %dma_wait3A_257] : memref<50x128xi32, #tpu.memory_space<vmem>> -> memref<1x128xi32, #tpu.memory_space<vmem>>
        %dma_wait3A_259 = tpu.memref_squeeze %dma_wait3A_258 : memref<1x128xi32, #tpu.memory_space<vmem>> -> memref<128xi32, #tpu.memory_space<vmem>>
        %dma_wait3A_260 = arith.constant 0 : i32
        %dma_wait3A_261 = arith.constant 0 : i32
        %dma_wait3A_262 = tpu.memref_slice %arg3[%dma_wait3A_260, %dma_wait3A_261] : memref<100000x128xf32, #tpu.memory_space<hbm>> -> memref<100000x128xf32, #tpu.memory_space<hbm>>
        tpu.wait_indirect_dma semaphore(%arg15 : memref<!tpu.dma_semaphore, #tpu.memory_space<semaphore_mem>>) src(%dma_wait3A_262 : memref<100000x128xf32, #tpu.memory_space<hbm>>) dst(%arg8 : memref<128x128xf32, #tpu.memory_space<vmem>>)
        %dma_start3A_263 = arith.constant 0 : i32
        %dma_start3A_264 = tpu.memref_slice %arg4[%add3A_137, %multiple_of3A, %dma_start3A_263] : memref<50x4096x128xf32, #tpu.memory_space<hbm>> -> memref<1x128x128xf32, #tpu.memory_space<hbm>>
        %dma_start3A_265 = tpu.memref_squeeze %dma_start3A_264 : memref<1x128x128xf32, #tpu.memory_space<hbm>> -> memref<128x128xf32, #tpu.memory_space<hbm>>
        %dma_start3A_266 = arith.constant 0 : i32
        %dma_start3A_267 = tpu.memref_slice %arg4[%add3A_137, %multiple_of3A, %dma_start3A_266] : memref<50x4096x128xf32, #tpu.memory_space<hbm>> -> memref<1x128x128xf32, #tpu.memory_space<hbm>>
        %dma_start3A_268 = tpu.memref_squeeze %dma_start3A_267 : memref<1x128x128xf32, #tpu.memory_space<hbm>> -> memref<128x128xf32, #tpu.memory_space<hbm>>
        tpu.enqueue_dma source(%arg8 : memref<128x128xf32, #tpu.memory_space<vmem>>) target(%dma_start3A_268 : memref<128x128xf32, #tpu.memory_space<hbm>>) target_semaphore(%arg22 : memref<!tpu.dma_semaphore, #tpu.memory_space<semaphore_mem>>)
      } else {
      }
      %mul3A_143 = arith.constant 7 : i32
      %mul3A_144 = arith.muli %scan3A_118, %mul3A_143 : i32
      %add3A_145 = arith.constant 3 : i32
      %add3A_146 = arith.addi %mul3A_144, %add3A_145 : i32
      %lt3A_147 = arith.constant 50 : i32
      %lt3A_148 = arith.cmpi slt, %add3A_146, %lt3A_147 : i32
      %convert_element_type3A_149 = arith.extui %lt3A_148 : i1 to i32
      %cond3A_150 = arith.constant 0 : i32
      %cond3A_151 = arith.cmpi ne, %convert_element_type3A_149, %cond3A_150 : i32
      scf.if %cond3A_151 {
        %dma_wait3A_256 = arith.constant 0 : i32
        %dma_wait3A_257 = arith.constant 0 : i32
        %dma_wait3A_258 = tpu.memref_slice %arg5[%dma_wait3A_256, %dma_wait3A_257] : memref<50x128xi32, #tpu.memory_space<vmem>> -> memref<1x128xi32, #tpu.memory_space<vmem>>
        %dma_wait3A_259 = tpu.memref_squeeze %dma_wait3A_258 : memref<1x128xi32, #tpu.memory_space<vmem>> -> memref<128xi32, #tpu.memory_space<vmem>>
        %dma_wait3A_260 = arith.constant 0 : i32
        %dma_wait3A_261 = arith.constant 0 : i32
        %dma_wait3A_262 = tpu.memref_slice %arg3[%dma_wait3A_260, %dma_wait3A_261] : memref<100000x128xf32, #tpu.memory_space<hbm>> -> memref<100000x128xf32, #tpu.memory_space<hbm>>
        tpu.wait_indirect_dma semaphore(%arg16 : memref<!tpu.dma_semaphore, #tpu.memory_space<semaphore_mem>>) src(%dma_wait3A_262 : memref<100000x128xf32, #tpu.memory_space<hbm>>) dst(%arg9 : memref<128x128xf32, #tpu.memory_space<vmem>>)
        %dma_start3A_263 = arith.constant 0 : i32
        %dma_start3A_264 = tpu.memref_slice %arg4[%add3A_146, %multiple_of3A, %dma_start3A_263] : memref<50x4096x128xf32, #tpu.memory_space<hbm>> -> memref<1x128x128xf32, #tpu.memory_space<hbm>>
        %dma_start3A_265 = tpu.memref_squeeze %dma_start3A_264 : memref<1x128x128xf32, #tpu.memory_space<hbm>> -> memref<128x128xf32, #tpu.memory_space<hbm>>
        %dma_start3A_266 = arith.constant 0 : i32
        %dma_start3A_267 = tpu.memref_slice %arg4[%add3A_146, %multiple_of3A, %dma_start3A_266] : memref<50x4096x128xf32, #tpu.memory_space<hbm>> -> memref<1x128x128xf32, #tpu.memory_space<hbm>>
        %dma_start3A_268 = tpu.memref_squeeze %dma_start3A_267 : memref<1x128x128xf32, #tpu.memory_space<hbm>> -> memref<128x128xf32, #tpu.memory_space<hbm>>
        tpu.enqueue_dma source(%arg9 : memref<128x128xf32, #tpu.memory_space<vmem>>) target(%dma_start3A_268 : memref<128x128xf32, #tpu.memory_space<hbm>>) target_semaphore(%arg23 : memref<!tpu.dma_semaphore, #tpu.memory_space<semaphore_mem>>)
      } else {
      }
      %mul3A_152 = arith.constant 7 : i32
      %mul3A_153 = arith.muli %scan3A_118, %mul3A_152 : i32
      %add3A_154 = arith.constant 4 : i32
      %add3A_155 = arith.addi %mul3A_153, %add3A_154 : i32
      %lt3A_156 = arith.constant 50 : i32
      %lt3A_157 = arith.cmpi slt, %add3A_155, %lt3A_156 : i32
      %convert_element_type3A_158 = arith.extui %lt3A_157 : i1 to i32
      %cond3A_159 = arith.constant 0 : i32
      %cond3A_160 = arith.cmpi ne, %convert_element_type3A_158, %cond3A_159 : i32
      scf.if %cond3A_160 {
        %dma_wait3A_256 = arith.constant 0 : i32
        %dma_wait3A_257 = arith.constant 0 : i32
        %dma_wait3A_258 = tpu.memref_slice %arg5[%dma_wait3A_256, %dma_wait3A_257] : memref<50x128xi32, #tpu.memory_space<vmem>> -> memref<1x128xi32, #tpu.memory_space<vmem>>
        %dma_wait3A_259 = tpu.memref_squeeze %dma_wait3A_258 : memref<1x128xi32, #tpu.memory_space<vmem>> -> memref<128xi32, #tpu.memory_space<vmem>>
        %dma_wait3A_260 = arith.constant 0 : i32
        %dma_wait3A_261 = arith.constant 0 : i32
        %dma_wait3A_262 = tpu.memref_slice %arg3[%dma_wait3A_260, %dma_wait3A_261] : memref<100000x128xf32, #tpu.memory_space<hbm>> -> memref<100000x128xf32, #tpu.memory_space<hbm>>
        tpu.wait_indirect_dma semaphore(%arg17 : memref<!tpu.dma_semaphore, #tpu.memory_space<semaphore_mem>>) src(%dma_wait3A_262 : memref<100000x128xf32, #tpu.memory_space<hbm>>) dst(%arg10 : memref<128x128xf32, #tpu.memory_space<vmem>>)
        %dma_start3A_263 = arith.constant 0 : i32
        %dma_start3A_264 = tpu.memref_slice %arg4[%add3A_155, %multiple_of3A, %dma_start3A_263] : memref<50x4096x128xf32, #tpu.memory_space<hbm>> -> memref<1x128x128xf32, #tpu.memory_space<hbm>>
        %dma_start3A_265 = tpu.memref_squeeze %dma_start3A_264 : memref<1x128x128xf32, #tpu.memory_space<hbm>> -> memref<128x128xf32, #tpu.memory_space<hbm>>
        %dma_start3A_266 = arith.constant 0 : i32
        %dma_start3A_267 = tpu.memref_slice %arg4[%add3A_155, %multiple_of3A, %dma_start3A_266] : memref<50x4096x128xf32, #tpu.memory_space<hbm>> -> memref<1x128x128xf32, #tpu.memory_space<hbm>>
        %dma_start3A_268 = tpu.memref_squeeze %dma_start3A_267 : memref<1x128x128xf32, #tpu.memory_space<hbm>> -> memref<128x128xf32, #tpu.memory_space<hbm>>
        tpu.enqueue_dma source(%arg10 : memref<128x128xf32, #tpu.memory_space<vmem>>) target(%dma_start3A_268 : memref<128x128xf32, #tpu.memory_space<hbm>>) target_semaphore(%arg24 : memref<!tpu.dma_semaphore, #tpu.memory_space<semaphore_mem>>)
      } else {
      }
      %mul3A_161 = arith.constant 7 : i32
      %mul3A_162 = arith.muli %scan3A_118, %mul3A_161 : i32
      %add3A_163 = arith.constant 5 : i32
      %add3A_164 = arith.addi %mul3A_162, %add3A_163 : i32
      %lt3A_165 = arith.constant 50 : i32
      %lt3A_166 = arith.cmpi slt, %add3A_164, %lt3A_165 : i32
      %convert_element_type3A_167 = arith.extui %lt3A_166 : i1 to i32
      %cond3A_168 = arith.constant 0 : i32
      %cond3A_169 = arith.cmpi ne, %convert_element_type3A_167, %cond3A_168 : i32
      scf.if %cond3A_169 {
        %dma_wait3A_256 = arith.constant 0 : i32
        %dma_wait3A_257 = arith.constant 0 : i32
        %dma_wait3A_258 = tpu.memref_slice %arg5[%dma_wait3A_256, %dma_wait3A_257] : memref<50x128xi32, #tpu.memory_space<vmem>> -> memref<1x128xi32, #tpu.memory_space<vmem>>
        %dma_wait3A_259 = tpu.memref_squeeze %dma_wait3A_258 : memref<1x128xi32, #tpu.memory_space<vmem>> -> memref<128xi32, #tpu.memory_space<vmem>>
        %dma_wait3A_260 = arith.constant 0 : i32
        %dma_wait3A_261 = arith.constant 0 : i32
        %dma_wait3A_262 = tpu.memref_slice %arg3[%dma_wait3A_260, %dma_wait3A_261] : memref<100000x128xf32, #tpu.memory_space<hbm>> -> memref<100000x128xf32, #tpu.memory_space<hbm>>
        tpu.wait_indirect_dma semaphore(%arg18 : memref<!tpu.dma_semaphore, #tpu.memory_space<semaphore_mem>>) src(%dma_wait3A_262 : memref<100000x128xf32, #tpu.memory_space<hbm>>) dst(%arg11 : memref<128x128xf32, #tpu.memory_space<vmem>>)
        %dma_start3A_263 = arith.constant 0 : i32
        %dma_start3A_264 = tpu.memref_slice %arg4[%add3A_164, %multiple_of3A, %dma_start3A_263] : memref<50x4096x128xf32, #tpu.memory_space<hbm>> -> memref<1x128x128xf32, #tpu.memory_space<hbm>>
        %dma_start3A_265 = tpu.memref_squeeze %dma_start3A_264 : memref<1x128x128xf32, #tpu.memory_space<hbm>> -> memref<128x128xf32, #tpu.memory_space<hbm>>
        %dma_start3A_266 = arith.constant 0 : i32
        %dma_start3A_267 = tpu.memref_slice %arg4[%add3A_164, %multiple_of3A, %dma_start3A_266] : memref<50x4096x128xf32, #tpu.memory_space<hbm>> -> memref<1x128x128xf32, #tpu.memory_space<hbm>>
        %dma_start3A_268 = tpu.memref_squeeze %dma_start3A_267 : memref<1x128x128xf32, #tpu.memory_space<hbm>> -> memref<128x128xf32, #tpu.memory_space<hbm>>
        tpu.enqueue_dma source(%arg11 : memref<128x128xf32, #tpu.memory_space<vmem>>) target(%dma_start3A_268 : memref<128x128xf32, #tpu.memory_space<hbm>>) target_semaphore(%arg25 : memref<!tpu.dma_semaphore, #tpu.memory_space<semaphore_mem>>)
      } else {
      }
      %mul3A_170 = arith.constant 7 : i32
      %mul3A_171 = arith.muli %scan3A_118, %mul3A_170 : i32
      %add3A_172 = arith.constant 6 : i32
      %add3A_173 = arith.addi %mul3A_171, %add3A_172 : i32
      %lt3A_174 = arith.constant 50 : i32
      %lt3A_175 = arith.cmpi slt, %add3A_173, %lt3A_174 : i32
      %convert_element_type3A_176 = arith.extui %lt3A_175 : i1 to i32
      %cond3A_177 = arith.constant 0 : i32
      %cond3A_178 = arith.cmpi ne, %convert_element_type3A_176, %cond3A_177 : i32
      scf.if %cond3A_178 {
        %dma_wait3A_256 = arith.constant 0 : i32
        %dma_wait3A_257 = arith.constant 0 : i32
        %dma_wait3A_258 = tpu.memref_slice %arg5[%dma_wait3A_256, %dma_wait3A_257] : memref<50x128xi32, #tpu.memory_space<vmem>> -> memref<1x128xi32, #tpu.memory_space<vmem>>
        %dma_wait3A_259 = tpu.memref_squeeze %dma_wait3A_258 : memref<1x128xi32, #tpu.memory_space<vmem>> -> memref<128xi32, #tpu.memory_space<vmem>>
        %dma_wait3A_260 = arith.constant 0 : i32
        %dma_wait3A_261 = arith.constant 0 : i32
        %dma_wait3A_262 = tpu.memref_slice %arg3[%dma_wait3A_260, %dma_wait3A_261] : memref<100000x128xf32, #tpu.memory_space<hbm>> -> memref<100000x128xf32, #tpu.memory_space<hbm>>
        tpu.wait_indirect_dma semaphore(%arg19 : memref<!tpu.dma_semaphore, #tpu.memory_space<semaphore_mem>>) src(%dma_wait3A_262 : memref<100000x128xf32, #tpu.memory_space<hbm>>) dst(%arg12 : memref<128x128xf32, #tpu.memory_space<vmem>>)
        %dma_start3A_263 = arith.constant 0 : i32
        %dma_start3A_264 = tpu.memref_slice %arg4[%add3A_173, %multiple_of3A, %dma_start3A_263] : memref<50x4096x128xf32, #tpu.memory_space<hbm>> -> memref<1x128x128xf32, #tpu.memory_space<hbm>>
        %dma_start3A_265 = tpu.memref_squeeze %dma_start3A_264 : memref<1x128x128xf32, #tpu.memory_space<hbm>> -> memref<128x128xf32, #tpu.memory_space<hbm>>
        %dma_start3A_266 = arith.constant 0 : i32
        %dma_start3A_267 = tpu.memref_slice %arg4[%add3A_173, %multiple_of3A, %dma_start3A_266] : memref<50x4096x128xf32, #tpu.memory_space<hbm>> -> memref<1x128x128xf32, #tpu.memory_space<hbm>>
        %dma_start3A_268 = tpu.memref_squeeze %dma_start3A_267 : memref<1x128x128xf32, #tpu.memory_space<hbm>> -> memref<128x128xf32, #tpu.memory_space<hbm>>
        tpu.enqueue_dma source(%arg12 : memref<128x128xf32, #tpu.memory_space<vmem>>) target(%dma_start3A_268 : memref<128x128xf32, #tpu.memory_space<hbm>>) target_semaphore(%arg26 : memref<!tpu.dma_semaphore, #tpu.memory_space<semaphore_mem>>)
      } else {
      }
      %add3A_179 = arith.constant 1 : i32
      %add3A_180 = arith.addi %scan3A_118, %add3A_179 : i32
      %mul3A_181 = arith.constant 7 : i32
      %mul3A_182 = arith.muli %add3A_180, %mul3A_181 : i32
      %add3A_183 = arith.constant 0 : i32
      %add3A_184 = arith.addi %mul3A_182, %add3A_183 : i32
      %lt3A_185 = arith.constant 50 : i32
      %lt3A_186 = arith.cmpi slt, %add3A_184, %lt3A_185 : i32
      %convert_element_type3A_187 = arith.extui %lt3A_186 : i1 to i32
      %cond3A_188 = arith.constant 0 : i32
      %cond3A_189 = arith.cmpi ne, %convert_element_type3A_187, %cond3A_188 : i32
      scf.if %cond3A_189 {
        %dma_wait3A_256 = arith.constant 0 : i32
        %dma_wait3A_257 = arith.constant 0 : i32
        %dma_wait3A_258 = arith.constant 0 : i32
        %dma_wait3A_259 = tpu.memref_slice %arg4[%dma_wait3A_256, %dma_wait3A_257, %dma_wait3A_258] : memref<50x4096x128xf32, #tpu.memory_space<hbm>> -> memref<1x128x128xf32, #tpu.memory_space<hbm>>
        %dma_wait3A_260 = tpu.memref_squeeze %dma_wait3A_259 : memref<1x128x128xf32, #tpu.memory_space<hbm>> -> memref<128x128xf32, #tpu.memory_space<hbm>>
        %dma_wait3A_261 = arith.constant 0 : i32
        %dma_wait3A_262 = arith.constant 0 : i32
        %dma_wait3A_263 = tpu.memref_slice %arg4[%dma_wait3A_256, %dma_wait3A_261, %dma_wait3A_262] : memref<50x4096x128xf32, #tpu.memory_space<hbm>> -> memref<1x128x128xf32, #tpu.memory_space<hbm>>
        %dma_wait3A_264 = tpu.memref_squeeze %dma_wait3A_263 : memref<1x128x128xf32, #tpu.memory_space<hbm>> -> memref<128x128xf32, #tpu.memory_space<hbm>>
        tpu.wait_dma2 semaphore(%arg20 : memref<!tpu.dma_semaphore, #tpu.memory_space<semaphore_mem>>) src(%arg6 : memref<128x128xf32, #tpu.memory_space<vmem>>) dst(%dma_wait3A_264 : memref<128x128xf32, #tpu.memory_space<hbm>>)
        %dma_start3A_265 = arith.constant 0 : i32
        %dma_start3A_266 = tpu.memref_slice %arg5[%add3A_184, %dma_start3A_265] : memref<50x128xi32, #tpu.memory_space<vmem>> -> memref<1x128xi32, #tpu.memory_space<vmem>>
        %dma_start3A_267 = tpu.memref_squeeze %dma_start3A_266 : memref<1x128xi32, #tpu.memory_space<vmem>> -> memref<128xi32, #tpu.memory_space<vmem>>
        %dma_start3A_268 = arith.constant 0 : i32
        %dma_start3A_269 = arith.constant 0 : i32
        %dma_start3A_270 = tpu.memref_slice %arg3[%dma_start3A_268, %dma_start3A_269] : memref<100000x128xf32, #tpu.memory_space<hbm>> -> memref<100000x128xf32, #tpu.memory_space<hbm>>
        tpu.enqueue_indirect_dma source(%dma_start3A_270 : memref<100000x128xf32, #tpu.memory_space<hbm>>) target(%arg6 : memref<128x128xf32, #tpu.memory_space<vmem>>) offsets(%dma_start3A_267 : memref<128xi32, #tpu.memory_space<vmem>>) semaphore(%arg13 : memref<!tpu.dma_semaphore, #tpu.memory_space<semaphore_mem>>)
      } else {
      }
      %add3A_190 = arith.constant 1 : i32
      %add3A_191 = arith.addi %scan3A_118, %add3A_190 : i32
      %mul3A_192 = arith.constant 7 : i32
      %mul3A_193 = arith.muli %add3A_191, %mul3A_192 : i32
      %add3A_194 = arith.constant 1 : i32
      %add3A_195 = arith.addi %mul3A_193, %add3A_194 : i32
      %lt3A_196 = arith.constant 50 : i32
      %lt3A_197 = arith.cmpi slt, %add3A_195, %lt3A_196 : i32
      %convert_element_type3A_198 = arith.extui %lt3A_197 : i1 to i32
      %cond3A_199 = arith.constant 0 : i32
      %cond3A_200 = arith.cmpi ne, %convert_element_type3A_198, %cond3A_199 : i32
      scf.if %cond3A_200 {
        %dma_wait3A_256 = arith.constant 0 : i32
        %dma_wait3A_257 = arith.constant 0 : i32
        %dma_wait3A_258 = arith.constant 0 : i32
        %dma_wait3A_259 = tpu.memref_slice %arg4[%dma_wait3A_256, %dma_wait3A_257, %dma_wait3A_258] : memref<50x4096x128xf32, #tpu.memory_space<hbm>> -> memref<1x128x128xf32, #tpu.memory_space<hbm>>
        %dma_wait3A_260 = tpu.memref_squeeze %dma_wait3A_259 : memref<1x128x128xf32, #tpu.memory_space<hbm>> -> memref<128x128xf32, #tpu.memory_space<hbm>>
        %dma_wait3A_261 = arith.constant 0 : i32
        %dma_wait3A_262 = arith.constant 0 : i32
        %dma_wait3A_263 = tpu.memref_slice %arg4[%dma_wait3A_256, %dma_wait3A_261, %dma_wait3A_262] : memref<50x4096x128xf32, #tpu.memory_space<hbm>> -> memref<1x128x128xf32, #tpu.memory_space<hbm>>
        %dma_wait3A_264 = tpu.memref_squeeze %dma_wait3A_263 : memref<1x128x128xf32, #tpu.memory_space<hbm>> -> memref<128x128xf32, #tpu.memory_space<hbm>>
        tpu.wait_dma2 semaphore(%arg21 : memref<!tpu.dma_semaphore, #tpu.memory_space<semaphore_mem>>) src(%arg7 : memref<128x128xf32, #tpu.memory_space<vmem>>) dst(%dma_wait3A_264 : memref<128x128xf32, #tpu.memory_space<hbm>>)
        %dma_start3A_265 = arith.constant 0 : i32
        %dma_start3A_266 = tpu.memref_slice %arg5[%add3A_195, %dma_start3A_265] : memref<50x128xi32, #tpu.memory_space<vmem>> -> memref<1x128xi32, #tpu.memory_space<vmem>>
        %dma_start3A_267 = tpu.memref_squeeze %dma_start3A_266 : memref<1x128xi32, #tpu.memory_space<vmem>> -> memref<128xi32, #tpu.memory_space<vmem>>
        %dma_start3A_268 = arith.constant 0 : i32
        %dma_start3A_269 = arith.constant 0 : i32
        %dma_start3A_270 = tpu.memref_slice %arg3[%dma_start3A_268, %dma_start3A_269] : memref<100000x128xf32, #tpu.memory_space<hbm>> -> memref<100000x128xf32, #tpu.memory_space<hbm>>
        tpu.enqueue_indirect_dma source(%dma_start3A_270 : memref<100000x128xf32, #tpu.memory_space<hbm>>) target(%arg7 : memref<128x128xf32, #tpu.memory_space<vmem>>) offsets(%dma_start3A_267 : memref<128xi32, #tpu.memory_space<vmem>>) semaphore(%arg14 : memref<!tpu.dma_semaphore, #tpu.memory_space<semaphore_mem>>)
      } else {
      }
      %add3A_201 = arith.constant 1 : i32
      %add3A_202 = arith.addi %scan3A_118, %add3A_201 : i32
      %mul3A_203 = arith.constant 7 : i32
      %mul3A_204 = arith.muli %add3A_202, %mul3A_203 : i32
      %add3A_205 = arith.constant 2 : i32
      %add3A_206 = arith.addi %mul3A_204, %add3A_205 : i32
      %lt3A_207 = arith.constant 50 : i32
      %lt3A_208 = arith.cmpi slt, %add3A_206, %lt3A_207 : i32
      %convert_element_type3A_209 = arith.extui %lt3A_208 : i1 to i32
      %cond3A_210 = arith.constant 0 : i32
      %cond3A_211 = arith.cmpi ne, %convert_element_type3A_209, %cond3A_210 : i32
      scf.if %cond3A_211 {
        %dma_wait3A_256 = arith.constant 0 : i32
        %dma_wait3A_257 = arith.constant 0 : i32
        %dma_wait3A_258 = arith.constant 0 : i32
        %dma_wait3A_259 = tpu.memref_slice %arg4[%dma_wait3A_256, %dma_wait3A_257, %dma_wait3A_258] : memref<50x4096x128xf32, #tpu.memory_space<hbm>> -> memref<1x128x128xf32, #tpu.memory_space<hbm>>
        %dma_wait3A_260 = tpu.memref_squeeze %dma_wait3A_259 : memref<1x128x128xf32, #tpu.memory_space<hbm>> -> memref<128x128xf32, #tpu.memory_space<hbm>>
        %dma_wait3A_261 = arith.constant 0 : i32
        %dma_wait3A_262 = arith.constant 0 : i32
        %dma_wait3A_263 = tpu.memref_slice %arg4[%dma_wait3A_256, %dma_wait3A_261, %dma_wait3A_262] : memref<50x4096x128xf32, #tpu.memory_space<hbm>> -> memref<1x128x128xf32, #tpu.memory_space<hbm>>
        %dma_wait3A_264 = tpu.memref_squeeze %dma_wait3A_263 : memref<1x128x128xf32, #tpu.memory_space<hbm>> -> memref<128x128xf32, #tpu.memory_space<hbm>>
        tpu.wait_dma2 semaphore(%arg22 : memref<!tpu.dma_semaphore, #tpu.memory_space<semaphore_mem>>) src(%arg8 : memref<128x128xf32, #tpu.memory_space<vmem>>) dst(%dma_wait3A_264 : memref<128x128xf32, #tpu.memory_space<hbm>>)
        %dma_start3A_265 = arith.constant 0 : i32
        %dma_start3A_266 = tpu.memref_slice %arg5[%add3A_206, %dma_start3A_265] : memref<50x128xi32, #tpu.memory_space<vmem>> -> memref<1x128xi32, #tpu.memory_space<vmem>>
        %dma_start3A_267 = tpu.memref_squeeze %dma_start3A_266 : memref<1x128xi32, #tpu.memory_space<vmem>> -> memref<128xi32, #tpu.memory_space<vmem>>
        %dma_start3A_268 = arith.constant 0 : i32
        %dma_start3A_269 = arith.constant 0 : i32
        %dma_start3A_270 = tpu.memref_slice %arg3[%dma_start3A_268, %dma_start3A_269] : memref<100000x128xf32, #tpu.memory_space<hbm>> -> memref<100000x128xf32, #tpu.memory_space<hbm>>
        tpu.enqueue_indirect_dma source(%dma_start3A_270 : memref<100000x128xf32, #tpu.memory_space<hbm>>) target(%arg8 : memref<128x128xf32, #tpu.memory_space<vmem>>) offsets(%dma_start3A_267 : memref<128xi32, #tpu.memory_space<vmem>>) semaphore(%arg15 : memref<!tpu.dma_semaphore, #tpu.memory_space<semaphore_mem>>)
      } else {
      }
      %add3A_212 = arith.constant 1 : i32
      %add3A_213 = arith.addi %scan3A_118, %add3A_212 : i32
      %mul3A_214 = arith.constant 7 : i32
      %mul3A_215 = arith.muli %add3A_213, %mul3A_214 : i32
      %add3A_216 = arith.constant 3 : i32
      %add3A_217 = arith.addi %mul3A_215, %add3A_216 : i32
      %lt3A_218 = arith.constant 50 : i32
      %lt3A_219 = arith.cmpi slt, %add3A_217, %lt3A_218 : i32
      %convert_element_type3A_220 = arith.extui %lt3A_219 : i1 to i32
      %cond3A_221 = arith.constant 0 : i32
      %cond3A_222 = arith.cmpi ne, %convert_element_type3A_220, %cond3A_221 : i32
      scf.if %cond3A_222 {
        %dma_wait3A_256 = arith.constant 0 : i32
        %dma_wait3A_257 = arith.constant 0 : i32
        %dma_wait3A_258 = arith.constant 0 : i32
        %dma_wait3A_259 = tpu.memref_slice %arg4[%dma_wait3A_256, %dma_wait3A_257, %dma_wait3A_258] : memref<50x4096x128xf32, #tpu.memory_space<hbm>> -> memref<1x128x128xf32, #tpu.memory_space<hbm>>
        %dma_wait3A_260 = tpu.memref_squeeze %dma_wait3A_259 : memref<1x128x128xf32, #tpu.memory_space<hbm>> -> memref<128x128xf32, #tpu.memory_space<hbm>>
        %dma_wait3A_261 = arith.constant 0 : i32
        %dma_wait3A_262 = arith.constant 0 : i32
        %dma_wait3A_263 = tpu.memref_slice %arg4[%dma_wait3A_256, %dma_wait3A_261, %dma_wait3A_262] : memref<50x4096x128xf32, #tpu.memory_space<hbm>> -> memref<1x128x128xf32, #tpu.memory_space<hbm>>
        %dma_wait3A_264 = tpu.memref_squeeze %dma_wait3A_263 : memref<1x128x128xf32, #tpu.memory_space<hbm>> -> memref<128x128xf32, #tpu.memory_space<hbm>>
        tpu.wait_dma2 semaphore(%arg23 : memref<!tpu.dma_semaphore, #tpu.memory_space<semaphore_mem>>) src(%arg9 : memref<128x128xf32, #tpu.memory_space<vmem>>) dst(%dma_wait3A_264 : memref<128x128xf32, #tpu.memory_space<hbm>>)
        %dma_start3A_265 = arith.constant 0 : i32
        %dma_start3A_266 = tpu.memref_slice %arg5[%add3A_217, %dma_start3A_265] : memref<50x128xi32, #tpu.memory_space<vmem>> -> memref<1x128xi32, #tpu.memory_space<vmem>>
        %dma_start3A_267 = tpu.memref_squeeze %dma_start3A_266 : memref<1x128xi32, #tpu.memory_space<vmem>> -> memref<128xi32, #tpu.memory_space<vmem>>
        %dma_start3A_268 = arith.constant 0 : i32
        %dma_start3A_269 = arith.constant 0 : i32
        %dma_start3A_270 = tpu.memref_slice %arg3[%dma_start3A_268, %dma_start3A_269] : memref<100000x128xf32, #tpu.memory_space<hbm>> -> memref<100000x128xf32, #tpu.memory_space<hbm>>
        tpu.enqueue_indirect_dma source(%dma_start3A_270 : memref<100000x128xf32, #tpu.memory_space<hbm>>) target(%arg9 : memref<128x128xf32, #tpu.memory_space<vmem>>) offsets(%dma_start3A_267 : memref<128xi32, #tpu.memory_space<vmem>>) semaphore(%arg16 : memref<!tpu.dma_semaphore, #tpu.memory_space<semaphore_mem>>)
      } else {
      }
      %add3A_223 = arith.constant 1 : i32
      %add3A_224 = arith.addi %scan3A_118, %add3A_223 : i32
      %mul3A_225 = arith.constant 7 : i32
      %mul3A_226 = arith.muli %add3A_224, %mul3A_225 : i32
      %add3A_227 = arith.constant 4 : i32
      %add3A_228 = arith.addi %mul3A_226, %add3A_227 : i32
      %lt3A_229 = arith.constant 50 : i32
      %lt3A_230 = arith.cmpi slt, %add3A_228, %lt3A_229 : i32
      %convert_element_type3A_231 = arith.extui %lt3A_230 : i1 to i32
      %cond3A_232 = arith.constant 0 : i32
      %cond3A_233 = arith.cmpi ne, %convert_element_type3A_231, %cond3A_232 : i32
      scf.if %cond3A_233 {
        %dma_wait3A_256 = arith.constant 0 : i32
        %dma_wait3A_257 = arith.constant 0 : i32
        %dma_wait3A_258 = arith.constant 0 : i32
        %dma_wait3A_259 = tpu.memref_slice %arg4[%dma_wait3A_256, %dma_wait3A_257, %dma_wait3A_258] : memref<50x4096x128xf32, #tpu.memory_space<hbm>> -> memref<1x128x128xf32, #tpu.memory_space<hbm>>
        %dma_wait3A_260 = tpu.memref_squeeze %dma_wait3A_259 : memref<1x128x128xf32, #tpu.memory_space<hbm>> -> memref<128x128xf32, #tpu.memory_space<hbm>>
        %dma_wait3A_261 = arith.constant 0 : i32
        %dma_wait3A_262 = arith.constant 0 : i32
        %dma_wait3A_263 = tpu.memref_slice %arg4[%dma_wait3A_256, %dma_wait3A_261, %dma_wait3A_262] : memref<50x4096x128xf32, #tpu.memory_space<hbm>> -> memref<1x128x128xf32, #tpu.memory_space<hbm>>
        %dma_wait3A_264 = tpu.memref_squeeze %dma_wait3A_263 : memref<1x128x128xf32, #tpu.memory_space<hbm>> -> memref<128x128xf32, #tpu.memory_space<hbm>>
        tpu.wait_dma2 semaphore(%arg24 : memref<!tpu.dma_semaphore, #tpu.memory_space<semaphore_mem>>) src(%arg10 : memref<128x128xf32, #tpu.memory_space<vmem>>) dst(%dma_wait3A_264 : memref<128x128xf32, #tpu.memory_space<hbm>>)
        %dma_start3A_265 = arith.constant 0 : i32
        %dma_start3A_266 = tpu.memref_slice %arg5[%add3A_228, %dma_start3A_265] : memref<50x128xi32, #tpu.memory_space<vmem>> -> memref<1x128xi32, #tpu.memory_space<vmem>>
        %dma_start3A_267 = tpu.memref_squeeze %dma_start3A_266 : memref<1x128xi32, #tpu.memory_space<vmem>> -> memref<128xi32, #tpu.memory_space<vmem>>
        %dma_start3A_268 = arith.constant 0 : i32
        %dma_start3A_269 = arith.constant 0 : i32
        %dma_start3A_270 = tpu.memref_slice %arg3[%dma_start3A_268, %dma_start3A_269] : memref<100000x128xf32, #tpu.memory_space<hbm>> -> memref<100000x128xf32, #tpu.memory_space<hbm>>
        tpu.enqueue_indirect_dma source(%dma_start3A_270 : memref<100000x128xf32, #tpu.memory_space<hbm>>) target(%arg10 : memref<128x128xf32, #tpu.memory_space<vmem>>) offsets(%dma_start3A_267 : memref<128xi32, #tpu.memory_space<vmem>>) semaphore(%arg17 : memref<!tpu.dma_semaphore, #tpu.memory_space<semaphore_mem>>)
      } else {
      }
      %add3A_234 = arith.constant 1 : i32
      %add3A_235 = arith.addi %scan3A_118, %add3A_234 : i32
      %mul3A_236 = arith.constant 7 : i32
      %mul3A_237 = arith.muli %add3A_235, %mul3A_236 : i32
      %add3A_238 = arith.constant 5 : i32
      %add3A_239 = arith.addi %mul3A_237, %add3A_238 : i32
      %lt3A_240 = arith.constant 50 : i32
      %lt3A_241 = arith.cmpi slt, %add3A_239, %lt3A_240 : i32
      %convert_element_type3A_242 = arith.extui %lt3A_241 : i1 to i32
      %cond3A_243 = arith.constant 0 : i32
      %cond3A_244 = arith.cmpi ne, %convert_element_type3A_242, %cond3A_243 : i32
      scf.if %cond3A_244 {
        %dma_wait3A_256 = arith.constant 0 : i32
        %dma_wait3A_257 = arith.constant 0 : i32
        %dma_wait3A_258 = arith.constant 0 : i32
        %dma_wait3A_259 = tpu.memref_slice %arg4[%dma_wait3A_256, %dma_wait3A_257, %dma_wait3A_258] : memref<50x4096x128xf32, #tpu.memory_space<hbm>> -> memref<1x128x128xf32, #tpu.memory_space<hbm>>
        %dma_wait3A_260 = tpu.memref_squeeze %dma_wait3A_259 : memref<1x128x128xf32, #tpu.memory_space<hbm>> -> memref<128x128xf32, #tpu.memory_space<hbm>>
        %dma_wait3A_261 = arith.constant 0 : i32
        %dma_wait3A_262 = arith.constant 0 : i32
        %dma_wait3A_263 = tpu.memref_slice %arg4[%dma_wait3A_256, %dma_wait3A_261, %dma_wait3A_262] : memref<50x4096x128xf32, #tpu.memory_space<hbm>> -> memref<1x128x128xf32, #tpu.memory_space<hbm>>
        %dma_wait3A_264 = tpu.memref_squeeze %dma_wait3A_263 : memref<1x128x128xf32, #tpu.memory_space<hbm>> -> memref<128x128xf32, #tpu.memory_space<hbm>>
        tpu.wait_dma2 semaphore(%arg25 : memref<!tpu.dma_semaphore, #tpu.memory_space<semaphore_mem>>) src(%arg11 : memref<128x128xf32, #tpu.memory_space<vmem>>) dst(%dma_wait3A_264 : memref<128x128xf32, #tpu.memory_space<hbm>>)
        %dma_start3A_265 = arith.constant 0 : i32
        %dma_start3A_266 = tpu.memref_slice %arg5[%add3A_239, %dma_start3A_265] : memref<50x128xi32, #tpu.memory_space<vmem>> -> memref<1x128xi32, #tpu.memory_space<vmem>>
        %dma_start3A_267 = tpu.memref_squeeze %dma_start3A_266 : memref<1x128xi32, #tpu.memory_space<vmem>> -> memref<128xi32, #tpu.memory_space<vmem>>
        %dma_start3A_268 = arith.constant 0 : i32
        %dma_start3A_269 = arith.constant 0 : i32
        %dma_start3A_270 = tpu.memref_slice %arg3[%dma_start3A_268, %dma_start3A_269] : memref<100000x128xf32, #tpu.memory_space<hbm>> -> memref<100000x128xf32, #tpu.memory_space<hbm>>
        tpu.enqueue_indirect_dma source(%dma_start3A_270 : memref<100000x128xf32, #tpu.memory_space<hbm>>) target(%arg11 : memref<128x128xf32, #tpu.memory_space<vmem>>) offsets(%dma_start3A_267 : memref<128xi32, #tpu.memory_space<vmem>>) semaphore(%arg18 : memref<!tpu.dma_semaphore, #tpu.memory_space<semaphore_mem>>)
      } else {
      }
      %add3A_245 = arith.constant 1 : i32
      %add3A_246 = arith.addi %scan3A_118, %add3A_245 : i32
      %mul3A_247 = arith.constant 7 : i32
      %mul3A_248 = arith.muli %add3A_246, %mul3A_247 : i32
      %add3A_249 = arith.constant 6 : i32
      %add3A_250 = arith.addi %mul3A_248, %add3A_249 : i32
      %lt3A_251 = arith.constant 50 : i32
      %lt3A_252 = arith.cmpi slt, %add3A_250, %lt3A_251 : i32
      %convert_element_type3A_253 = arith.extui %lt3A_252 : i1 to i32
      %cond3A_254 = arith.constant 0 : i32
      %cond3A_255 = arith.cmpi ne, %convert_element_type3A_253, %cond3A_254 : i32
      scf.if %cond3A_255 {
        %dma_wait3A_256 = arith.constant 0 : i32
        %dma_wait3A_257 = arith.constant 0 : i32
        %dma_wait3A_258 = arith.constant 0 : i32
        %dma_wait3A_259 = tpu.memref_slice %arg4[%dma_wait3A_256, %dma_wait3A_257, %dma_wait3A_258] : memref<50x4096x128xf32, #tpu.memory_space<hbm>> -> memref<1x128x128xf32, #tpu.memory_space<hbm>>
        %dma_wait3A_260 = tpu.memref_squeeze %dma_wait3A_259 : memref<1x128x128xf32, #tpu.memory_space<hbm>> -> memref<128x128xf32, #tpu.memory_space<hbm>>
        %dma_wait3A_261 = arith.constant 0 : i32
        %dma_wait3A_262 = arith.constant 0 : i32
        %dma_wait3A_263 = tpu.memref_slice %arg4[%dma_wait3A_256, %dma_wait3A_261, %dma_wait3A_262] : memref<50x4096x128xf32, #tpu.memory_space<hbm>> -> memref<1x128x128xf32, #tpu.memory_space<hbm>>
        %dma_wait3A_264 = tpu.memref_squeeze %dma_wait3A_263 : memref<1x128x128xf32, #tpu.memory_space<hbm>> -> memref<128x128xf32, #tpu.memory_space<hbm>>
        tpu.wait_dma2 semaphore(%arg26 : memref<!tpu.dma_semaphore, #tpu.memory_space<semaphore_mem>>) src(%arg12 : memref<128x128xf32, #tpu.memory_space<vmem>>) dst(%dma_wait3A_264 : memref<128x128xf32, #tpu.memory_space<hbm>>)
        %dma_start3A_265 = arith.constant 0 : i32
        %dma_start3A_266 = tpu.memref_slice %arg5[%add3A_250, %dma_start3A_265] : memref<50x128xi32, #tpu.memory_space<vmem>> -> memref<1x128xi32, #tpu.memory_space<vmem>>
        %dma_start3A_267 = tpu.memref_squeeze %dma_start3A_266 : memref<1x128xi32, #tpu.memory_space<vmem>> -> memref<128xi32, #tpu.memory_space<vmem>>
        %dma_start3A_268 = arith.constant 0 : i32
        %dma_start3A_269 = arith.constant 0 : i32
        %dma_start3A_270 = tpu.memref_slice %arg3[%dma_start3A_268, %dma_start3A_269] : memref<100000x128xf32, #tpu.memory_space<hbm>> -> memref<100000x128xf32, #tpu.memory_space<hbm>>
        tpu.enqueue_indirect_dma source(%dma_start3A_270 : memref<100000x128xf32, #tpu.memory_space<hbm>>) target(%arg12 : memref<128x128xf32, #tpu.memory_space<vmem>>) offsets(%dma_start3A_267 : memref<128xi32, #tpu.memory_space<vmem>>) semaphore(%arg19 : memref<!tpu.dma_semaphore, #tpu.memory_space<semaphore_mem>>)
      } else {
      }
    }
    %scan3A_55 = arith.constant 8 : i32
    %dma_wait3A = arith.constant 0 : i32
    %dma_wait3A_56 = arith.constant 0 : i32
    %dma_wait3A_57 = arith.constant 0 : i32
    %dma_wait3A_58 = tpu.memref_slice %arg4[%dma_wait3A, %dma_wait3A_56, %dma_wait3A_57] : memref<50x4096x128xf32, #tpu.memory_space<hbm>> -> memref<1x128x128xf32, #tpu.memory_space<hbm>>
    %dma_wait3A_59 = tpu.memref_squeeze %dma_wait3A_58 : memref<1x128x128xf32, #tpu.memory_space<hbm>> -> memref<128x128xf32, #tpu.memory_space<hbm>>
    %dma_wait3A_60 = arith.constant 0 : i32
    %dma_wait3A_61 = arith.constant 0 : i32
    %dma_wait3A_62 = tpu.memref_slice %arg4[%dma_wait3A, %dma_wait3A_60, %dma_wait3A_61] : memref<50x4096x128xf32, #tpu.memory_space<hbm>> -> memref<1x128x128xf32, #tpu.memory_space<hbm>>
    %dma_wait3A_63 = tpu.memref_squeeze %dma_wait3A_62 : memref<1x128x128xf32, #tpu.memory_space<hbm>> -> memref<128x128xf32, #tpu.memory_space<hbm>>
    tpu.wait_dma2 semaphore(%arg20 : memref<!tpu.dma_semaphore, #tpu.memory_space<semaphore_mem>>) src(%arg6 : memref<128x128xf32, #tpu.memory_space<vmem>>) dst(%dma_wait3A_63 : memref<128x128xf32, #tpu.memory_space<hbm>>)
    %dma_wait3A_64 = arith.constant 0 : i32
    %dma_wait3A_65 = arith.constant 0 : i32
    %dma_wait3A_66 = arith.constant 0 : i32
    %dma_wait3A_67 = tpu.memref_slice %arg4[%dma_wait3A_64, %dma_wait3A_65, %dma_wait3A_66] : memref<50x4096x128xf32, #tpu.memory_space<hbm>> -> memref<1x128x128xf32, #tpu.memory_space<hbm>>
    %dma_wait3A_68 = tpu.memref_squeeze %dma_wait3A_67 : memref<1x128x128xf32, #tpu.memory_space<hbm>> -> memref<128x128xf32, #tpu.memory_space<hbm>>
    %dma_wait3A_69 = arith.constant 0 : i32
    %dma_wait3A_70 = arith.constant 0 : i32
    %dma_wait3A_71 = tpu.memref_slice %arg4[%dma_wait3A_64, %dma_wait3A_69, %dma_wait3A_70] : memref<50x4096x128xf32, #tpu.memory_space<hbm>> -> memref<1x128x128xf32, #tpu.memory_space<hbm>>
    %dma_wait3A_72 = tpu.memref_squeeze %dma_wait3A_71 : memref<1x128x128xf32, #tpu.memory_space<hbm>> -> memref<128x128xf32, #tpu.memory_space<hbm>>
    tpu.wait_dma2 semaphore(%arg21 : memref<!tpu.dma_semaphore, #tpu.memory_space<semaphore_mem>>) src(%arg7 : memref<128x128xf32, #tpu.memory_space<vmem>>) dst(%dma_wait3A_72 : memref<128x128xf32, #tpu.memory_space<hbm>>)
    %dma_wait3A_73 = arith.constant 0 : i32
    %dma_wait3A_74 = arith.constant 0 : i32
    %dma_wait3A_75 = arith.constant 0 : i32
    %dma_wait3A_76 = tpu.memref_slice %arg4[%dma_wait3A_73, %dma_wait3A_74, %dma_wait3A_75] : memref<50x4096x128xf32, #tpu.memory_space<hbm>> -> memref<1x128x128xf32, #tpu.memory_space<hbm>>
    %dma_wait3A_77 = tpu.memref_squeeze %dma_wait3A_76 : memref<1x128x128xf32, #tpu.memory_space<hbm>> -> memref<128x128xf32, #tpu.memory_space<hbm>>
    %dma_wait3A_78 = arith.constant 0 : i32
    %dma_wait3A_79 = arith.constant 0 : i32
    %dma_wait3A_80 = tpu.memref_slice %arg4[%dma_wait3A_73, %dma_wait3A_78, %dma_wait3A_79] : memref<50x4096x128xf32, #tpu.memory_space<hbm>> -> memref<1x128x128xf32, #tpu.memory_space<hbm>>
    %dma_wait3A_81 = tpu.memref_squeeze %dma_wait3A_80 : memref<1x128x128xf32, #tpu.memory_space<hbm>> -> memref<128x128xf32, #tpu.memory_space<hbm>>
    tpu.wait_dma2 semaphore(%arg22 : memref<!tpu.dma_semaphore, #tpu.memory_space<semaphore_mem>>) src(%arg8 : memref<128x128xf32, #tpu.memory_space<vmem>>) dst(%dma_wait3A_81 : memref<128x128xf32, #tpu.memory_space<hbm>>)
    %dma_wait3A_82 = arith.constant 0 : i32
    %dma_wait3A_83 = arith.constant 0 : i32
    %dma_wait3A_84 = arith.constant 0 : i32
    %dma_wait3A_85 = tpu.memref_slice %arg4[%dma_wait3A_82, %dma_wait3A_83, %dma_wait3A_84] : memref<50x4096x128xf32, #tpu.memory_space<hbm>> -> memref<1x128x128xf32, #tpu.memory_space<hbm>>
    %dma_wait3A_86 = tpu.memref_squeeze %dma_wait3A_85 : memref<1x128x128xf32, #tpu.memory_space<hbm>> -> memref<128x128xf32, #tpu.memory_space<hbm>>
    %dma_wait3A_87 = arith.constant 0 : i32
    %dma_wait3A_88 = arith.constant 0 : i32
    %dma_wait3A_89 = tpu.memref_slice %arg4[%dma_wait3A_82, %dma_wait3A_87, %dma_wait3A_88] : memref<50x4096x128xf32, #tpu.memory_space<hbm>> -> memref<1x128x128xf32, #tpu.memory_space<hbm>>
    %dma_wait3A_90 = tpu.memref_squeeze %dma_wait3A_89 : memref<1x128x128xf32, #tpu.memory_space<hbm>> -> memref<128x128xf32, #tpu.memory_space<hbm>>
    tpu.wait_dma2 semaphore(%arg23 : memref<!tpu.dma_semaphore, #tpu.memory_space<semaphore_mem>>) src(%arg9 : memref<128x128xf32, #tpu.memory_space<vmem>>) dst(%dma_wait3A_90 : memref<128x128xf32, #tpu.memory_space<hbm>>)
    %dma_wait3A_91 = arith.constant 0 : i32
    %dma_wait3A_92 = arith.constant 0 : i32
    %dma_wait3A_93 = arith.constant 0 : i32
    %dma_wait3A_94 = tpu.memref_slice %arg4[%dma_wait3A_91, %dma_wait3A_92, %dma_wait3A_93] : memref<50x4096x128xf32, #tpu.memory_space<hbm>> -> memref<1x128x128xf32, #tpu.memory_space<hbm>>
    %dma_wait3A_95 = tpu.memref_squeeze %dma_wait3A_94 : memref<1x128x128xf32, #tpu.memory_space<hbm>> -> memref<128x128xf32, #tpu.memory_space<hbm>>
    %dma_wait3A_96 = arith.constant 0 : i32
    %dma_wait3A_97 = arith.constant 0 : i32
    %dma_wait3A_98 = tpu.memref_slice %arg4[%dma_wait3A_91, %dma_wait3A_96, %dma_wait3A_97] : memref<50x4096x128xf32, #tpu.memory_space<hbm>> -> memref<1x128x128xf32, #tpu.memory_space<hbm>>
    %dma_wait3A_99 = tpu.memref_squeeze %dma_wait3A_98 : memref<1x128x128xf32, #tpu.memory_space<hbm>> -> memref<128x128xf32, #tpu.memory_space<hbm>>
    tpu.wait_dma2 semaphore(%arg24 : memref<!tpu.dma_semaphore, #tpu.memory_space<semaphore_mem>>) src(%arg10 : memref<128x128xf32, #tpu.memory_space<vmem>>) dst(%dma_wait3A_99 : memref<128x128xf32, #tpu.memory_space<hbm>>)
    %dma_wait3A_100 = arith.constant 0 : i32
    %dma_wait3A_101 = arith.constant 0 : i32
    %dma_wait3A_102 = arith.constant 0 : i32
    %dma_wait3A_103 = tpu.memref_slice %arg4[%dma_wait3A_100, %dma_wait3A_101, %dma_wait3A_102] : memref<50x4096x128xf32, #tpu.memory_space<hbm>> -> memref<1x128x128xf32, #tpu.memory_space<hbm>>
    %dma_wait3A_104 = tpu.memref_squeeze %dma_wait3A_103 : memref<1x128x128xf32, #tpu.memory_space<hbm>> -> memref<128x128xf32, #tpu.memory_space<hbm>>
    %dma_wait3A_105 = arith.constant 0 : i32
    %dma_wait3A_106 = arith.constant 0 : i32
    %dma_wait3A_107 = tpu.memref_slice %arg4[%dma_wait3A_100, %dma_wait3A_105, %dma_wait3A_106] : memref<50x4096x128xf32, #tpu.memory_space<hbm>> -> memref<1x128x128xf32, #tpu.memory_space<hbm>>
    %dma_wait3A_108 = tpu.memref_squeeze %dma_wait3A_107 : memref<1x128x128xf32, #tpu.memory_space<hbm>> -> memref<128x128xf32, #tpu.memory_space<hbm>>
    tpu.wait_dma2 semaphore(%arg25 : memref<!tpu.dma_semaphore, #tpu.memory_space<semaphore_mem>>) src(%arg11 : memref<128x128xf32, #tpu.memory_space<vmem>>) dst(%dma_wait3A_108 : memref<128x128xf32, #tpu.memory_space<hbm>>)
    %dma_wait3A_109 = arith.constant 0 : i32
    %dma_wait3A_110 = arith.constant 0 : i32
    %dma_wait3A_111 = arith.constant 0 : i32
    %dma_wait3A_112 = tpu.memref_slice %arg4[%dma_wait3A_109, %dma_wait3A_110, %dma_wait3A_111] : memref<50x4096x128xf32, #tpu.memory_space<hbm>> -> memref<1x128x128xf32, #tpu.memory_space<hbm>>
    %dma_wait3A_113 = tpu.memref_squeeze %dma_wait3A_112 : memref<1x128x128xf32, #tpu.memory_space<hbm>> -> memref<128x128xf32, #tpu.memory_space<hbm>>
    %dma_wait3A_114 = arith.constant 0 : i32
    %dma_wait3A_115 = arith.constant 0 : i32
    %dma_wait3A_116 = tpu.memref_slice %arg4[%dma_wait3A_109, %dma_wait3A_114, %dma_wait3A_115] : memref<50x4096x128xf32, #tpu.memory_space<hbm>> -> memref<1x128x128xf32, #tpu.memory_space<hbm>>
    %dma_wait3A_117 = tpu.memref_squeeze %dma_wait3A_116 : memref<1x128x128xf32, #tpu.memory_space<hbm>> -> memref<128x128xf32, #tpu.memory_space<hbm>>
    tpu.wait_dma2 semaphore(%arg26 : memref<!tpu.dma_semaphore, #tpu.memory_space<semaphore_mem>>) src(%arg12 : memref<128x128xf32, #tpu.memory_space<vmem>>) dst(%dma_wait3A_117 : memref<128x128xf32, #tpu.memory_space<hbm>>)
    return
  }
}

</mosaic_0001>

<sc_bundles>
// kernel: kernel.3.cloned.1.call-start
scs
__scs_entry_jumppad:
0x0: {  	(pc) =	sbr.rel $0x88, $3  }
0x1: {  	(tag) =	ssettag $0x0;
	lr =	simm.s32 $0x1  }
0x2: {  	[smem:$0x3F9F] =	sst lr;
	_ =	strace $0xD0000000  }
0x3: {  	_ = 	snop  }
0x4: {  	_ = 	snop  }
0x5: {  	_ = 	snop  }
0x6: {  	_ = 	snop  }
0x7: {  	_ = 	snop  }
__scs_overlays_trampoline_lowered:
0x8: {  	[smem:$0x3FAE] =	sst s0  }
0x9: {  	[smem:$0x3FAF] =	sst s1  }
0xa: {  	[smem:$0x3FB0] =	sst s2  }
0xb: {  	[smem:$0x3FB1] =	sst s3  }
0xc: {  	[smem:$0x3FB2] =	sst s4  }
0xd: {  	[smem:$0x3FB3] =	sst s5  }
0xe: {  	[smem:$0x3FB4] =	sst s6  }
0xf: {  	[smem:$0x3FB5] =	sst s7  }
0x10: {  	[smem:$0x3FB6] =	sst s8  }
0x11: {  	[smem:$0x3FB7] =	sst s9;
	s0 =	simm.s32 @!p0 $0x0  }
0x12: {  	s1 =	sld [smem:$0x3F9D];
	s0 =	simm.s32 @p0 $0x1  }
0x13: {  	[smem:$0x3FB8] =	sst s0;
	s0 =	simm.s32 @!p1 $0x0  }
0x14: {  	s2 =	sld [smem:$0x3F9C];
	s0 =	simm.s32 @p1 $0x1  }
0x15: {  	[smem:$0x3FB9] =	sst s0;
	s0 =	simm.s32 @!p2 $0x0  }
0x16: {  	s3 =	sld [smem:$0x3FDB];
	s0 =	simm.s32 @p2 $0x1  }
0x17: {  	s4 =	simm.s32 $0x1BF5;
	[smem:$0x3FBB] =	sst s0  }
0x18: {  	s0 =	sld [smem:$0x3F9E];
	_ =	swait.ge [sflag:s4], $0x0  }
0x19: {  	s7 =	sld [smem:$0x3F9F]  }
0x1a: {  	s8 =	sadd.s32 $0xFFFFE003, lr  }
0x1b: {  	s9 =	sadd.s32 $0xFFFFFEF7, lr;
	s5 =	simm.s32 $0xFFFFFFFF;
	p2 =	slt.u32 s8, $0xFFFFF086  }
0x1c: {  	p1 =	slt.u32 s9, $0xF7A;
	s5 =	simm.s32 @!p2 $0x0  }
0x1d: {  	s5 =	simm.s32 @p1 $0x1;
	p0 =	seq.s32 s7, s2  }
0x1e: {  	s7 =	smul.u32 @!p0 $0xF7A, s2;
	p2 =	seq.s32 @!p0 s5, $0x0  }
0x1f: {  	s9 =	smul.u32 $0xF7A, s1;
	s8 =	simm.s32 @!p0 $0x1BF5;
	p2 =	por !p2, p0  }
0x20: {  	[sflag:s8] =	ssyncset.s32 @!p0 $0xFFFFF086;
	s6 =	sadd.s32 @!p0 s3, s7;
	s7 =	simm.s32 @!p0 $0x108  }
0x21: {  	s3 =	sadd.s32 s3, s9;
	s6 =	sadd.s32 @!p0 $0x88, s6;
	s7 =	simm.s32 @p2 $0x1082  }
0x22: {  	[simem:s7], [sflag:s8] =	dma.local @!p0 [hbm:s6], $0xF7A  }
0x23: {  	s9 =	sor.u32 $0xD0000000, s2;
	s6 =	simm.s32 $0x108;
	_ =	swait.ge @!p0 [sflag:s8], $0x0  }
0x24: {  	s3 =	sadd.s32 $0x88, s3;
	s6 =	simm.s32 @!p1 $0x1082;
	[sflag:s4] =	ssyncset.s32 $0xFFFFF086  }
0x25: {  	[simem:s6], [sflag:s4] =	dma.local [hbm:s3], $0xF7A  }
0x26: {  	[smem:$0x3F9F] =	sst s1;
	(tag) =	ssettag s2;
	_ =	strace s9  }
0x27: {  	s1 =	sld [smem:$0x3FAF]  }
0x28: {  	s2 =	sld [smem:$0x3FB0]  }
0x29: {  	s4 =	sld [smem:$0x3FB2]  }
0x2a: {  	p0 =	seq.s32 s5, $0x0;
	s5 =	sld [smem:$0x3FB3]  }
0x2b: {  	s6 =	sld [smem:$0x3FB4]  }
0x2c: {  	s7 =	sld [smem:$0x3FB5]  }
0x2d: {  	s3 =	simm.s32 $0x108;
	s8 =	sld [smem:$0x3FB6]  }
0x2e: {  	s3 =	simm.s32 @!p0 $0x1082;
	s9 =	sld [smem:$0x3FB7]  }
0x2f: {  	lr =	sadd.s32 s0, s3;
	s0 =	sld [smem:$0x3FAE]  }
0x30: {  	s3 =	sld [smem:$0x3FB1]  }
0x31: {  	[smem:$0x3FBA] =	sst s10  }
0x32: {  	s10 =	sld [smem:$0x3FB8];
	_ =	sdelay $0x3  }
0x33: {  	p0 =	seq.s32 s10, $0x1;
	s10 =	sld [smem:$0x3FBA];
	_ =	sdelay $0x3  }
0x34: {  	[smem:$0x3FBA] =	sst s10  }
0x35: {  	s10 =	sld [smem:$0x3FB9];
	_ =	sdelay $0x3  }
0x36: {  	p1 =	seq.s32 s10, $0x1;
	s10 =	sld [smem:$0x3FBA];
	_ =	sdelay $0x3  }
0x37: {  	[smem:$0x3FBA] =	sst s10  }
0x38: {  	s10 =	sld [smem:$0x3FBB]  }
0x39: {  	_ = 	snop;
	(pc) =	sbr.ind lr, $3  }
0x3a: {  	_ = 	snop  }
0x3b: {  	_ = 	snop  }
0x3c: {  	p2 =	seq.s32 s10, $0x1;
	s10 =	sld [smem:$0x3FBA]  }
0x3d: {  	_ =	shalt  }
0x3e: {  	_ =	shalt  }
0x3f: {  	_ =	shalt  }
0x40: {  	_ =	shalt  }
0x41: {  	_ =	shalt  }
0x42: {  	_ =	shalt  }
0x43: {  	_ =	shalt  }
0x44: {  	_ =	shalt  }
0x45: {  	_ =	shalt  }
0x46: {  	_ =	shalt  }
0x47: {  	_ =	shalt  }
0x48: {  	_ =	shalt  }
0x49: {  	_ =	shalt  }
0x4a: {  	_ =	shalt  }
0x4b: {  	_ =	shalt  }
0x4c: {  	_ =	shalt  }
0x4d: {  	_ =	shalt  }
0x4e: {  	_ =	shalt  }
0x4f: {  	_ =	shalt  }
0x50: {  	_ =	shalt  }
0x51: {  	_ =	shalt  }
0x52: {  	_ =	shalt  }
0x53: {  	_ =	shalt  }
0x54: {  	_ =	shalt  }
0x55: {  	_ =	shalt  }
0x56: {  	_ =	shalt  }
0x57: {  	_ =	shalt  }
0x58: {  	_ =	shalt  }
0x59: {  	_ =	shalt  }
0x5a: {  	_ =	shalt  }
0x5b: {  	_ =	shalt  }
0x5c: {  	_ =	shalt  }
0x5d: {  	_ =	shalt  }
0x5e: {  	_ =	shalt  }
0x5f: {  	_ =	shalt  }
0x60: {  	_ =	shalt  }
0x61: {  	_ =	shalt  }
0x62: {  	_ =	shalt  }
0x63: {  	_ =	shalt  }
0x64: {  	_ =	shalt  }
0x65: {  	_ =	shalt  }
0x66: {  	_ =	shalt  }
0x67: {  	_ =	shalt  }
0x68: {  	_ =	shalt  }
0x69: {  	_ =	shalt  }
0x6a: {  	_ =	shalt  }
0x6b: {  	_ =	shalt  }
0x6c: {  	_ =	shalt  }
0x6d: {  	_ =	shalt  }
0x6e: {  	_ =	shalt  }
0x6f: {  	_ =	shalt  }
0x70: {  	_ =	shalt  }
0x71: {  	_ =	shalt  }
0x72: {  	_ =	shalt  }
0x73: {  	_ =	shalt  }
0x74: {  	_ =	shalt  }
0x75: {  	_ =	shalt  }
0x76: {  	_ =	shalt  }
0x77: {  	_ =	shalt  }
0x78: {  	_ =	shalt  }
0x79: {  	_ =	shalt  }
0x7a: {  	_ =	shalt  }
0x7b: {  	_ =	shalt  }
0x7c: {  	_ =	shalt  }
0x7d: {  	_ =	shalt  }
0x7e: {  	_ =	shalt  }
0x7f: {  	_ =	shalt  }
0x80: {  	_ =	shalt  }
0x81: {  	_ =	shalt  }
0x82: {  	_ =	shalt  }
0x83: {  	_ =	shalt  }
0x84: {  	_ =	shalt  }
0x85: {  	_ =	shalt  }
0x86: {  	_ =	shalt  }
0x87: {  	_ =	shalt  }
.Lfunc_end0:
.L_simem_size_0:
called_computation_lowered:
.L_overlay_start_0:
0x88: {  	s2 =	sld [smem:$0x3FD9]  }
0x89: {  	s3 =	sld [smem:$0x3FFE];
	_ =	sdelay $0x1  }
0x8a: {  	s1 =	srdreg.scid  }
0x8b: {  	s0 =	sand.u32 $0x1, s1  }
0x8c: {  	s18 =	sshll.u32 s0, $0xA;
	s2 =	sadd.s32 s3, s2  }
0x8d: {  	s2 =	sadd.s32 s2, s18  }
0x8e: {  	[smem:$0x3FC6] =	sst s2  }
0x8f: {  	_ = 	snop  }
0x90: {  	s2 =	sld [smem:$0x3FC9]  }
0x91: {  	s19 =	sld [smem:$0x3FC8]  }
0x92: {  	s4 =	sld [smem:$0x3FD0];
	(tm) =	ssettm $0x1  }
0x93: {  	s5 =	sld [smem:$0x3FFB];
	_ =	sdelay $0x3  }
0x94: {  	_ =	strace s5  }
0x95: {  	s5 =	sld [smem:$0x3FFC];
	_ =	sdelay $0x3  }
0x96: {  	_ =	strace s5  }
0x97: {  	s5 =	sld [smem:$0x3FFD];
	_ =	sdelay $0x3  }
0x98: {  	_ =	strace s5  }
0x99: {  	_ =	strace $0x8FFFFFFF  }
0x9a: {  	s20 =	sld [smem:$0x3FDB];
	_ =	sdelay $0x1  }
0x9b: {  	s6 =	simm.s32 $_scs_section_size  }
0x9c: {  	s7 =	simm.s32 $_size__tile_overlayer_lowered;
	s8 =	simm.s32 $_tile_overlayer_lowered  }
0x9d: {  	s23 =	simm.s32 $0x1BFF;
	s22 =	sshll.u32 s8, $0x1;
	s5 =	sadd.s32 s6, s20  }
0x9e: {  	s9 =	simm.s32 $0x0;
	s21 =	sshll.u32 s7, $0x1;
	s7 =	sadd.s32 s22, s5  }
0x9f: {  	[timem:s9], [sflag:s23] =	dma.local [hbm:s7], s21  }
0xa0: {  	_ =	swait.ge [sflag:s23], s21  }
0xa1: {  	s6 =	ssub.s32 $0x0, s21;
	[sflag:s23] =	ssyncset.done $0x0  }
0xa2: {  	[sflag:s23] =	ssyncadd.s32 s6;
	_ =	sdelay $0x1  }
0xa3: {  	s24 =	simm.s32 $0x1B8B  }
0xa4: {  	_ =	swait.ge [sflag:s24], $0x1  }
0xa5: {  	[sflag:s24] =	ssyncset.done $0x0  }
0xa6: {  	s25 =	simm.s32 $0x1B8E;
	[sflag:s24] =	ssyncadd.s32 $0xFFFFFFFF  }
0xa7: {  	s26 =	simm.s32 $execute0_lowered;
	[smem:$0x3FD2] =	sst s25  }
0xa8: {  	s6 =	sshll.u32 s26, $0x1;
	_ =	strace $0x80000046;
	[dreg:$0x1] =	wrdreg $0xFFFFFFFF  }
0xa9: {  	s28 =	simm.s32 $_size_execute0_lowered;
	s5 =	sadd.s32 s5, s6;
	[dreg:$0x0] =	wrdreg $0x0  }
0xaa: {  	s6 =	sshll.u32 s28, $0x1;
	[dreg:$0x2] =	wrdreg s5  }
0xab: {  	[dreg:$0x3] =	wrdreg s6  }
0xac: {  	[dreg:$0x4] =	wrdreg $0xC0  }
0xad: {  	_ =	task [dreg:s9], $0x5FFFF  }
0xae: {  	[dreg:$0x1] =	wrdreg $0xFFFFFFFF  }
0xaf: {  	[dreg:$0x0] =	wrdreg $0x60  }
0xb0: {  	[dreg:$0x2] =	wrdreg s2  }
0xb1: {  	[dreg:$0x3] =	wrdreg s19  }
0xb2: {  	[dreg:$0x4] =	wrdreg s4  }
0xb3: {  	[dreg:$0x5] =	wrdreg $0x9  }
0xb4: {  	_ =	task.clear_ibuf [dreg:s9], $0x6FFFF;
	_ =	strace $0x90000046  }
0xb5: {  	s29 =	simm.s32 $0x9;
	_ =	strace $0x80000048  }
0xb6: {  	_ =	swait.ge [sflag:s29], $0x1  }
0xb7: {  	[sflag:s29] =	ssyncadd.s32 $0xFFFFFFFF  }
0xb8: {  	_ =	strace $0x90000048  }
0xb9: {  	_ =	sfence  }
0xba: {  	s30 =	sld [smem:$0x0];
	_ =	sdelay $0x2  }
0xbb: {  	s31 =	sshll.u32 s1, $0xD;
	s1 =	sshrl.u32 s1, $0x2  }
0xbc: {  	s3 =	sand.u32 $0x4000, s31;
	s1 =	sadd.s32 s1, s30  }
0xbd: {  	s0 =	sor.u32 s3, s0;
	s1 =	sshll.u32 s1, $0x11  }
0xbe: {  	s0 =	sor.u32 s1, s0  }
0xbf: {  	s0 =	sadd.s32 $0x8F2B, s0  }
0xc0: {  	[sflag:s0] =	ssyncadd.remote.s32 $0x1  }
0xc1: {  	_ =	sfence.sel $0xFFFF  }
0xc2: {  	[dreg:$0x0] =	wrdreg $0xFFFFFFFF;
	(pc) =	sbr.abs _section_cstart, $3  }
0xc3: {  	[dreg:$0x1] =	wrdreg $0xFFFFFFFF  }
0xc4: {  	_ =	task.clear_ibuf [dreg:s9], $0x2FFFF;
	_ =	strace $0x9FFFFFFF  }
0xc5: {  	(tm) =	ssettm $0x7FFFFFFF  }
tec
execute0_lowered:
.L_overlay_start_1:
0x0: {  	(tag) =	ssettag $0x1  }
0x1: {  	s0 =	rddreg [dreg:$0x0]  }
0x2: {  	s1 =	rddreg [dreg:$0x1]  }
0x3: {  	s2 =	rddreg [dreg:$0x2]  }
0x4: {  	s4 =	simm.s32 $0x0;
	s3 =	srdreg.scid;
	s6 =	stileid.u32  }
0x5: {  	s20 =	simm.s32 $0x80;
	s21 =	simm.s32 $0x1C00;
	s22 =	simm.s32 $0x5C00  }
0x6: {  	s24 =	simm.s32 $0x9C00;
	s29 =	simm.s32 $0x11C00;
	s31 =	simm.s32 $0x15C00  }
0x7: {  	s16 =	simm.s32 $0x1;
	s17 =	simm.s32 $0x2;
	s18 =	simm.s32 $0x3  }
0x8: {  	s23 =	simm.s32 $0x4;
	s28 =	simm.s32 $0x6;
	s30 =	simm.s32 $0x7  }
0x9: {  	s14 =	simm.s32 $0x0;
	[smem:$0x7FF] =	sst s4;
	s3 =	sand.u32 $0x1, s3  }
0xa: {  	s6 =	sshll.u32 s6, $0x8;
	s5 =	ssub.s32 $0x2, s3;
	s3 =	sshll.u32 s3, $0x7  }
0xb: {  	_ =	strace $0x80000047;
	s7 =	sshrl.u32 s5, $0x1;
	s3 =	sor.u32 s3, s6  }
0xc: {  	s5 =	ssub.s32 s5, s7;
	s0 =	sadd.s32 s0, s3;
	s6 =	sshll.u32 s3, $0x7  }
0xd: {  	s26 =	sshll.u32 s3, $0x4;
	s3 =	simm.s32 $0x19C00;
	[dreg:$0x4] =	wrdreg s0  }
0xe: {  	s0 =	sadd.s32 $0x6000, s0;
	s8 =	sor.u32 $0x80000, s6;
	s9 =	sor.u32 $0x100000, s6  }
0xf: {  	s10 =	sor.u32 $0x180000, s6;
	s11 =	sor.u32 $0x200000, s6;
	s12 =	sor.u32 $0x280000, s6  }
0x10: {  	s13 =	sor.u32 $0x300000, s6;
	s25 =	smax.u32 s5, $0x1;
	[dreg:$0x5] =	wrdreg s0  }
0x11: {  	[dreg:$0x6] =	wrdreg s25;
	s0 =	sadd.s32 s2, s26;
	s26 =	simm.s32 $0xDC00  }
0x12: {  	s25 =	simm.s32 $0x5;
	[dreg:$0x7] =	wrdreg s0;
	s0 =	simm.s32 $0x8  }
.LBB2_1:
0x13: {  	[dreg:$0x8] =	wrdreg s14  }
0x14: {  	s5 =	rddreg [dreg:$0x4];
	s7 =	simm.s32 $0x400;
	s19 =	simm.s32 $0x8000  }
0x15: {  	[tilespmem:s4], [sflag:$0xF] =	stream.strided.gather [hbm4b:s5+s7], $0x1800, s19, s7, $0x38;
	[tilespmem:$0x1DC00] =	vst v63  }
0x16: {  	s15 =	rddreg [dreg:$0x5];
	s14 =	simm.s32 $0xF;
	s19 =	simm.s32 $0x1800  }
0x17: {  	[tilespmem:s19], [sflag:$0xF] =	stream.linear.gather [hbm4b:s15+s4], $0x100, $0x38;
	[tilespmem:$0x1DC00] =	vst v63  }
0x18: {  	_ =	swait.ge [sflag:s14], $0x1900  }
0x19: {  	[sflag:s14] =	ssyncset.done $0x0  }
0x1a: {  	[sflag:s14] =	ssyncadd.s32 $0xFFFFE700  }
0x1b: {  	[tilespmem:s21], [sflag:$0x1] =	stream.indirect.gather [hbm4b:s1+s20], $0x80, s4, s20, $0xb8;
	[tilespmem:$0x1DC00] =	vst v63  }
0x1c: {  	_ = 	snop  }
0x1d: {  	[tilespmem:s22], [sflag:$0x2] =	stream.indirect.gather [hbm4b:s1+s20], $0x80, s20, s20, $0xb8;
	[tilespmem:$0x1DC00] =	vst v63  }
0x1e: {  	s15 =	simm.s32 $0x100  }
0x1f: {  	[tilespmem:s24], [sflag:$0x3] =	stream.indirect.gather [hbm4b:s1+s20], $0x80, s15, s20, $0xb8;
	[tilespmem:$0x1DC00] =	vst v63  }
0x20: {  	s19 =	simm.s32 $0x180  }
0x21: {  	[tilespmem:s26], [sflag:$0x4] =	stream.indirect.gather [hbm4b:s1+s20], $0x80, s19, s20, $0xb8;
	[tilespmem:$0x1DC00] =	vst v63  }
0x22: {  	s7 =	simm.s32 $0x200  }
0x23: {  	[tilespmem:s29], [sflag:$0x5] =	stream.indirect.gather [hbm4b:s1+s20], $0x80, s7, s20, $0xb8;
	[tilespmem:$0x1DC00] =	vst v63  }
0x24: {  	s14 =	simm.s32 $0x280  }
0x25: {  	[tilespmem:s31], [sflag:$0x6] =	stream.indirect.gather [hbm4b:s1+s20], $0x80, s14, s20, $0xb8;
	[tilespmem:$0x1DC00] =	vst v63  }
0x26: {  	s15 =	simm.s32 $0x300  }
0x27: {  	[tilespmem:s3], [sflag:$0x7] =	stream.indirect.gather [hbm4b:s1+s20], $0x80, s15, s20, $0xb8;
	[tilespmem:$0x1DC00] =	vst v63  }
0x28: {  	_ =	swait.ge [sflag:s16], $0x4000  }
0x29: {  	s14 =	simm.s32 $0x0;
	[sflag:s16] =	ssyncset.done $0x0  }
0x2a: {  	s15 =	simm.s32 $0x0;
	s19 =	rddreg [dreg:$0x7];
	[sflag:s16] =	ssyncadd.s32 $0xFFFFC000  }
0x2b: {  	[hbm4b:s19+s4] =	stream.linear.scatter [tilespmem:s21], [sflag:$0x8], $0x4000, $0x38;
	[tilespmem:$0x1DC00] =	vst v63  }
.LBB2_2:
0x2c: {  	_ =	swait.ge [sflag:s17], $0x4000;
	s19 =	sadd.s32 s8, s15  }
0x2d: {  	[sflag:s17] =	ssyncset.done $0x0;
	s19 =	sshrl.u32 s19, $0x3  }
0x2e: {  	[sflag:s17] =	ssyncadd.s32 $0xFFFFC000;
	s19 =	sadd.s32 s2, s19  }
0x2f: {  	[hbm4b:s19+s4] =	stream.linear.scatter [tilespmem:s22], [sflag:$0x9], $0x4000, $0x38;
	[tilespmem:$0x1DC00] =	vst v63  }
0x30: {  	s5 =	sadd.s32 s9, s15;
	_ =	swait.ge [sflag:s18], $0x4000  }
0x31: {  	s19 =	sshrl.u32 s5, $0x3;
	[sflag:s18] =	ssyncset.done $0x0  }
0x32: {  	s19 =	sadd.s32 s2, s19;
	[sflag:s18] =	ssyncadd.s32 $0xFFFFC000  }
0x33: {  	[hbm4b:s19+s4] =	stream.linear.scatter [tilespmem:s24], [sflag:$0xA], $0x4000, $0x38;
	[tilespmem:$0x1DC00] =	vst v63  }
0x34: {  	s7 =	sadd.s32 s10, s15;
	_ =	swait.ge [sflag:s23], $0x4000  }
0x35: {  	s19 =	sshrl.u32 s7, $0x3;
	[sflag:s23] =	ssyncset.done $0x0  }
0x36: {  	s19 =	sadd.s32 s2, s19;
	[sflag:s23] =	ssyncadd.s32 $0xFFFFC000  }
0x37: {  	[hbm4b:s19+s4] =	stream.linear.scatter [tilespmem:s26], [sflag:$0xB], $0x4000, $0x38;
	[tilespmem:$0x1DC00] =	vst v63  }
0x38: {  	s5 =	sadd.s32 s11, s15;
	_ =	swait.ge [sflag:s25], $0x4000  }
0x39: {  	s19 =	sshrl.u32 s5, $0x3;
	[sflag:s25] =	ssyncset.done $0x0  }
0x3a: {  	s19 =	sadd.s32 s2, s19;
	[sflag:s25] =	ssyncadd.s32 $0xFFFFC000  }
0x3b: {  	[hbm4b:s19+s4] =	stream.linear.scatter [tilespmem:s29], [sflag:$0xC], $0x4000, $0x38;
	[tilespmem:$0x1DC00] =	vst v63  }
0x3c: {  	s7 =	sadd.s32 s12, s15;
	_ =	swait.ge [sflag:s28], $0x4000  }
0x3d: {  	s19 =	sshrl.u32 s7, $0x3;
	[sflag:s28] =	ssyncset.done $0x0  }
0x3e: {  	s19 =	sadd.s32 s2, s19;
	[sflag:s28] =	ssyncadd.s32 $0xFFFFC000  }
0x3f: {  	[hbm4b:s19+s4] =	stream.linear.scatter [tilespmem:s31], [sflag:$0xD], $0x4000, $0x38;
	[tilespmem:$0x1DC00] =	vst v63  }
0x40: {  	s5 =	sadd.s32 s13, s15;
	_ =	swait.ge [sflag:s30], $0x4000  }
0x41: {  	s15 =	sshrl.u32 s5, $0x3;
	[sflag:s30] =	ssyncset.done $0x0  }
0x42: {  	s15 =	sadd.s32 s2, s15;
	s19 =	sadd.s32 $0x1, s14;
	[sflag:s30] =	ssyncadd.s32 $0xFFFFC000  }
0x43: {  	[hbm4b:s15+s4] =	stream.linear.scatter [tilespmem:s3], [sflag:$0xE], $0x4000, $0x38;
	[tilespmem:$0x1DC00] =	vst v63  }
0x44: {  	s7 =	smul.u32 $0xE00, s19;
	_ =	swait.ge [sflag:s0], $0x4000  }
0x45: {  	p0 =	sgt.u32 s14, $0x5;
	[sflag:s0] =	ssyncset.done $0x0  }
0x46: {  	s14 =	simm.s32 @!p0 $0x9;
	s15 =	sshra.s32 s7, $0x2;
	[sflag:s0] =	ssyncadd.s32 $0xFFFFC000  }
0x47: {  	[tilespmem:s21], [sflag:$0x1] =	stream.indirect.gather [hbm4b:s1+s20], $0x80, s15, s20, $0xb8;
	[tilespmem:$0x1DC00] =	vst v63  }
0x48: {  	_ =	swait.ge @!p0 [sflag:s14], $0x4000  }
0x49: {  	s5 =	simm.s32 @!p0 $0x5C00;
	[sflag:s14] =	ssyncset.done @!p0 $0x0  }
0x4a: {  	s7 =	simm.s32 @!p0 $0x80;
	[sflag:s14] =	ssyncadd.s32 @!p0 $0xFFFFC000;
	s14 =	sadd.s32 @!p0 $0x80, s15  }
0x4b: {  	[tilespmem:s5], [sflag:$0x2] =	stream.indirect.gather @!p0 [hbm4b:s1+s7], $0x80, s14, s7, $0xb8;
	[tilespmem:$0x1DC00] =	vst v63  }
0x4c: {  	s5 =	simm.s32 @!p0 $0xA  }
0x4d: {  	_ =	swait.ge @!p0 [sflag:s5], $0x4000  }
0x4e: {  	[sflag:s5] =	ssyncset.done @!p0 $0x0  }
0x4f: {  	s14 =	simm.s32 @!p0 $0x9C00;
	[sflag:s5] =	ssyncadd.s32 @!p0 $0xFFFFC000;
	s5 =	sadd.s32 @!p0 $0x100, s15  }
0x50: {  	[tilespmem:s14], [sflag:$0x3] =	stream.indirect.gather @!p0 [hbm4b:s1+s7], $0x80, s5, s7, $0xb8;
	[tilespmem:$0x1DC00] =	vst v63  }
0x51: {  	s5 =	simm.s32 @!p0 $0xB  }
0x52: {  	_ =	swait.ge @!p0 [sflag:s5], $0x4000  }
0x53: {  	[sflag:s5] =	ssyncset.done @!p0 $0x0  }
0x54: {  	s14 =	simm.s32 @!p0 $0xDC00;
	[sflag:s5] =	ssyncadd.s32 @!p0 $0xFFFFC000;
	s5 =	sadd.s32 @!p0 $0x180, s15  }
0x55: {  	[tilespmem:s14], [sflag:$0x4] =	stream.indirect.gather @!p0 [hbm4b:s1+s7], $0x80, s5, s7, $0xb8;
	[tilespmem:$0x1DC00] =	vst v63  }
0x56: {  	s5 =	simm.s32 @!p0 $0xC  }
0x57: {  	_ =	swait.ge @!p0 [sflag:s5], $0x4000  }
0x58: {  	[sflag:s5] =	ssyncset.done @!p0 $0x0  }
0x59: {  	s14 =	simm.s32 @!p0 $0x11C00;
	[sflag:s5] =	ssyncadd.s32 @!p0 $0xFFFFC000;
	s5 =	sadd.s32 @!p0 $0x200, s15  }
0x5a: {  	[tilespmem:s14], [sflag:$0x5] =	stream.indirect.gather @!p0 [hbm4b:s1+s7], $0x80, s5, s7, $0xb8;
	[tilespmem:$0x1DC00] =	vst v63  }
0x5b: {  	s5 =	simm.s32 @!p0 $0xD  }
0x5c: {  	_ =	swait.ge @!p0 [sflag:s5], $0x4000  }
0x5d: {  	[sflag:s5] =	ssyncset.done @!p0 $0x0  }
0x5e: {  	s14 =	simm.s32 @!p0 $0x15C00;
	[sflag:s5] =	ssyncadd.s32 @!p0 $0xFFFFC000;
	s5 =	sadd.s32 @!p0 $0x280, s15  }
0x5f: {  	[tilespmem:s14], [sflag:$0x6] =	stream.indirect.gather @!p0 [hbm4b:s1+s7], $0x80, s5, s7, $0xb8;
	[tilespmem:$0x1DC00] =	vst v63  }
0x60: {  	s5 =	simm.s32 @!p0 $0xE  }
0x61: {  	_ =	swait.ge @!p0 [sflag:s5], $0x4000  }
0x62: {  	s19 =	simm.s32 @p0 $0x7;
	[sflag:s5] =	ssyncset.done @!p0 $0x0  }
0x63: {  	s14 =	simm.s32 @!p0 $0x19C00;
	[sflag:s5] =	ssyncadd.s32 @!p0 $0xFFFFC000;
	s5 =	sadd.s32 @!p0 $0x300, s15  }
0x64: {  	[tilespmem:s14], [sflag:$0x7] =	stream.indirect.gather @!p0 [hbm4b:s1+s7], $0x80, s5, s7, $0xb8;
	[tilespmem:$0x1DC00] =	vst v63  }
0x65: {  	s15 =	smul.u32 $0x380000, s19;
	p0 =	sne.s32 s19, $0x7  }
.Ltmp0:
0x66: {  	_ = 	snop;
	(pc) =	sbr.rel @p0 .LBB2_2-.Ltmp0, $4  }
0x67: {  	_ =	swait.ge [sflag:s16], $0x4000;
	s14 =	sor.u32 s6, s15  }
0x68: {  	[sflag:s16] =	ssyncset.done $0x0;
	s5 =	sshrl.u32 s14, $0x3  }
0x69: {  	s14 =	smov.u32 s19;
	[sflag:s16] =	ssyncadd.s32 $0xFFFFC000;
	s5 =	sadd.s32 s2, s5  }
0x6a: {  	[hbm4b:s5+s4] =	stream.linear.scatter [tilespmem:s21], [sflag:$0x8], $0x4000, $0x38;
	[tilespmem:$0x1DC00] =	vst v63  }
0x6b: {  	_ =	swait.ge [sflag:s0], $0x4000  }
0x6c: {  	[sflag:s0] =	ssyncset.done $0x0  }
0x6d: {  	s5 =	simm.s32 $0x9;
	[sflag:s0] =	ssyncadd.s32 $0xFFFFC000  }
0x6e: {  	_ =	swait.ge [sflag:s5], $0x4000  }
0x6f: {  	[sflag:s5] =	ssyncset.done $0x0  }
0x70: {  	s19 =	simm.s32 $0xA;
	[sflag:s5] =	ssyncadd.s32 $0xFFFFC000  }
0x71: {  	_ =	swait.ge [sflag:s19], $0x4000  }
0x72: {  	[sflag:s19] =	ssyncset.done $0x0  }
0x73: {  	s7 =	simm.s32 $0xB;
	[sflag:s19] =	ssyncadd.s32 $0xFFFFC000  }
0x74: {  	_ =	swait.ge [sflag:s7], $0x4000  }
0x75: {  	[sflag:s7] =	ssyncset.done $0x0  }
0x76: {  	s14 =	simm.s32 $0xC;
	[sflag:s7] =	ssyncadd.s32 $0xFFFFC000  }
0x77: {  	_ =	swait.ge [sflag:s14], $0x4000  }
0x78: {  	[sflag:s14] =	ssyncset.done $0x0  }
0x79: {  	s15 =	simm.s32 $0xD;
	[sflag:s14] =	ssyncadd.s32 $0xFFFFC000  }
0x7a: {  	_ =	swait.ge [sflag:s15], $0x4000  }
0x7b: {  	[sflag:s15] =	ssyncset.done $0x0  }
0x7c: {  	s7 =	simm.s32 $0xE;
	[sflag:s15] =	ssyncadd.s32 $0xFFFFC000  }
0x7d: {  	_ =	swait.ge [sflag:s7], $0x4000  }
0x7e: {  	s14 =	rddreg [dreg:$0x8]  }
0x7f: {  	s19 =	rddreg [dreg:$0x6];
	s14 =	sadd.s32 $0x1, s14  }
0x80: {  	p0 =	sne.s32 s14, s19  }
.Ltmp1:
0x81: {  	_ = 	snop;
	(pc) =	sbr.rel @p0 .LBB2_1-.Ltmp1, $3  }
0x82: {  	_ =	sdelay $0x1  }
0x83: {  	[sflag:s7] =	ssyncset.done $0x0  }
0x84: {  	[sflag:s7] =	ssyncadd.s32 $0xFFFFC000  }
0x85: {  	_ =	sfence.sel $0x180000  }
0x86: {  	[bflag:$0x0] =	sbarrier.arrive $0xFFFF  }
0x87: {  	_ =	strace $0x90000047  }
0x88: {  	s0 =	stileid.u32;
	[bflag:$0x2] =	sbarrier.arrive $0xFFFF  }
0x89: {  	p0 =	sne.s32 s0, $0x0;
	s0 =	rddreg [dreg:$0x3]  }
0x8a: {  	s0 =	sadd.s32 @!p0 $0x100000, s0  }
0x8b: {  	[sflag:s0] =	ssyncadd.tile.s32 @!p0 $0x1;
	_ =	shalt  }
.Lfunc_end2:
_tile_overlayer_lowered:
.L_overlay_start_2:
0x8c: {  	(tag) =	ssettag $0x2  }
0x8d: {  	s0 =	rddreg [dreg:$0x0];
	s2 =	stileid.u32  }
0x8e: {  	s1 =	rddreg [dreg:$0x1];
	p0 =	sne.s32 s2, $0x0  }
0x8f: {  	s3 =	rddreg [dreg:$0x2];
	[bflag:$0x3] =	sbarrier.arrive $0xFFFF;
	s2 =	simm.s32 @!p0 $0x1C0F  }
0x90: {  	[timem:s3], [sflag:s2] =	dma.local @!p0 [hbm:s0], s1  }
0x91: {  	s0 =	simm.s32 @!p0 $0xF  }
0x92: {  	_ =	swait.ge @!p0 [sflag:s0], s1  }
0x93: {  	s1 =	ssub.s32 @!p0 $0x0, s1;
	[sflag:s0] =	ssyncset.done @!p0 $0x0  }
0x94: {  	[sflag:s0] =	ssyncadd.s32 @!p0 s1  }
0x95: {  	[bflag:$0x3] =	sbarrier.arrive $0xFFFF  }
0x96: {  	_ =	shalt  }

</sc_bundles>
